<compile_context>
chip_gen: v7x
topology: tpu7x:2x2x1
jax: 0.10.2.dev20260603
libtpu: 0.0.44.dev20260713+nightly
codegen_flags: <defaults>
</compile_context>

<pallas_src>
import functools

import jax
import jax.numpy as jnp
from jax import lax
from jax.experimental import pallas as pl
from jax.experimental.pallas import tpu as pltpu
from jax.experimental.pallas import tpu_sc as plsc

EMBED_DIM = 32
NUM_CORES = 2
NUM_SUBCORES = 16
NUM_WORKERS = NUM_CORES * NUM_SUBCORES
B = 4096
T = 50
ROWS_PER_W = B // NUM_WORKERS
BLK = 16
NCHUNK = ROWS_PER_W // BLK


def _sc_embed(x2d, table):
    mesh = plsc.VectorSubcoreMesh(core_axis_name="c", subcore_axis_name="s")

    @functools.partial(
        pl.kernel,
        mesh=mesh,
        compiler_params=pltpu.CompilerParams(use_tc_tiling_on_sc=False),
        out_type=jax.ShapeDtypeStruct((B, T, EMBED_DIM), jnp.float32),
        scratch_types=[
            pltpu.VMEM((ROWS_PER_W, T), jnp.int32),
            pltpu.VMEM((BLK, T, EMBED_DIM), jnp.float32),
            pltpu.VMEM((BLK, T, EMBED_DIM), jnp.float32),
            pltpu.SemaphoreType.DMA,
            pltpu.SemaphoreType.DMA,
            pltpu.SemaphoreType.DMA,
            pltpu.SemaphoreType.DMA,
        ],
    )
    def k(x_hbm, tab_hbm, out_hbm, xv, r0, r1, semg0, semg1, sems0, sems1):
        wid = lax.axis_index("s") * NUM_CORES + lax.axis_index("c")
        b0 = wid * ROWS_PER_W
        pltpu.sync_copy(x_hbm.at[pl.ds(b0, ROWS_PER_W)], xv)

        def fire(c, buf, sem):
            for j in range(BLK):
                pltpu.async_copy(tab_hbm.at[xv.at[c * BLK + j]], buf.at[j], sem)

        def drain(c, buf, sem):
            for j in range(BLK):
                pltpu.make_async_copy(
                    tab_hbm.at[xv.at[c * BLK + j]], buf.at[j], sem).wait()

        def store(c, buf, sem):
            pltpu.async_copy(buf, out_hbm.at[pl.ds(b0 + c * BLK, BLK)], sem)

        def store_wait(c, buf, sem):
            pltpu.make_async_copy(
                buf, out_hbm.at[pl.ds(b0 + c * BLK, BLK)], sem).wait()

        fire(0, r0, semg0)
        fire(1, r1, semg1)

        def body(p, carry):
            c = 2 * p
            drain(c, r0, semg0)
            store(c, r0, sems0)

            @pl.when(c + 2 < NCHUNK)
            def _():
                store_wait(c, r0, sems0)
                fire(c + 2, r0, semg0)

            drain(c + 1, r1, semg1)
            store(c + 1, r1, sems1)

            @pl.when(c + 3 < NCHUNK)
            def _():
                store_wait(c + 1, r1, sems1)
                fire(c + 3, r1, semg1)

            return carry

        lax.fori_loop(0, NCHUNK // 2, body, 0)
        store_wait(NCHUNK - 2, r0, sems0)
        store_wait(NCHUNK - 1, r1, sems1)

    return k(x2d, table)


def kernel(x, table):
    return _sc_embed(x.astype(jnp.int32), table)

# --- scband reference (transcript-rebuilt; emitter-appended) ---
"""Pipeline reference for scband-text-embedding-16870631539243 (READ-ONLY COPY).

The authoritative reference and input builder live on the scoring server;
editing this copy changes nothing except your own understanding.
"""

import jax, jax.numpy as jnp
import numpy as np

VOCAB = 1000000
EMBED_DIM = 32

def setup_inputs(seed: int = 0) -> dict:
    key = jax.random.key(seed)
    k_idx, k_w = jax.random.split(key)
    x = jax.random.randint(k_idx, (4096, 50), 0, VOCAB, dtype=jnp.int64 if jax.config.jax_enable_x64 else jnp.int32)
    table = jax.random.normal(k_w, (VOCAB, EMBED_DIM), dtype=jnp.float32)
    return {"x": x, "table": table}

def reference(x, table):
    # nn.Embedding forward: row gather from the embedding table
    return jnp.take(table, x, axis=0)

if __name__ == "__main__":
    import jax
    _d = setup_inputs()
    print(jax.jit(kernel)(*tuple(_d.values())))

</pallas_src>

<mosaic_0001>
#map = affine_map<(d0, d1) -> (0, 0)>
#map1 = affine_map<(d0, d1) -> (0, 0, 0)>
module attributes {stable_mosaic.version = 14 : i64} {
  func.func @k(%arg0: i32, %arg1: i32, %arg2: memref<4096x50xi32, #tpu.memory_space<hbm>>, %arg3: memref<1000000x32xf32, #tpu.memory_space<hbm>>, %arg4: memref<4096x50x32xf32, #tpu.memory_space<hbm>>, %arg5: memref<128x50xi32, #tpu.memory_space<vmem>>, %arg6: memref<16x50x32xf32, #tpu.memory_space<vmem>>, %arg7: memref<16x50x32xf32, #tpu.memory_space<vmem>>, %arg8: memref<!tpu.dma_semaphore, #tpu.memory_space<semaphore_mem>>, %arg9: memref<!tpu.dma_semaphore, #tpu.memory_space<semaphore_mem>>, %arg10: memref<!tpu.dma_semaphore, #tpu.memory_space<semaphore_mem>>, %arg11: memref<!tpu.dma_semaphore, #tpu.memory_space<semaphore_mem>>) attributes {dimension_semantics = [#tpu.dimension_semantics<core_parallel>, #tpu.dimension_semantics<subcore_parallel>], iteration_bounds = array<i64: 2, 16>, scalar_prefetch = 0 : i64, scratch_operands = 7 : i64, tpu.core_type = #tpu.core_type<sc_vector_subcore>, window_params = [{transform_indices = #map}, {transform_indices = #map}, {transform_indices = #map1}]} {
    %mul3A = arith.constant 2 : i32
    %mul3A_0 = arith.muli %arg1, %mul3A : i32
    %add3A = arith.addi %mul3A_0, %arg0 : i32
    %mul3A_1 = arith.constant 128 : i32
    %mul3A_2 = arith.muli %add3A, %mul3A_1 : i32
    "tpu.region"() ({
      %run_scoped3A = tpu.sem_alloc : memref<!tpu.dma_semaphore, #tpu.memory_space<semaphore_mem>>
      %dma_start3A_406 = arith.constant 0 : i32
      %dma_start3A_407 = tpu.memref_slice %arg2[%mul3A_2, %dma_start3A_406] : memref<4096x50xi32, #tpu.memory_space<hbm>> -> memref<128x50xi32, #tpu.memory_space<hbm>>
      %dma_start3A_408 = arith.constant 0 : i32
      %dma_start3A_409 = tpu.memref_slice %arg2[%mul3A_2, %dma_start3A_408] : memref<4096x50xi32, #tpu.memory_space<hbm>> -> memref<128x50xi32, #tpu.memory_space<hbm>>
      tpu.enqueue_dma source(%dma_start3A_409 : memref<128x50xi32, #tpu.memory_space<hbm>>) target(%arg5 : memref<128x50xi32, #tpu.memory_space<vmem>>) target_semaphore(%run_scoped3A : memref<!tpu.dma_semaphore, #tpu.memory_space<semaphore_mem>>)
      %dma_wait3A_410 = arith.constant 0 : i32
      %dma_wait3A_411 = tpu.memref_slice %arg2[%mul3A_2, %dma_wait3A_410] : memref<4096x50xi32, #tpu.memory_space<hbm>> -> memref<128x50xi32, #tpu.memory_space<hbm>>
      %dma_wait3A_412 = arith.constant 0 : i32
      %dma_wait3A_413 = tpu.memref_slice %arg2[%mul3A_2, %dma_wait3A_412] : memref<4096x50xi32, #tpu.memory_space<hbm>> -> memref<128x50xi32, #tpu.memory_space<hbm>>
      tpu.wait_dma2 semaphore(%run_scoped3A : memref<!tpu.dma_semaphore, #tpu.memory_space<semaphore_mem>>) src(%dma_wait3A_413 : memref<128x50xi32, #tpu.memory_space<hbm>>) dst(%arg5 : memref<128x50xi32, #tpu.memory_space<vmem>>)
      tpu.yield
    }) : () -> ()
    %dma_start3A = arith.constant 0 : i32
    %dma_start3A_3 = arith.constant 0 : i32
    %dma_start3A_4 = arith.constant 0 : i32
    %dma_start3A_5 = arith.constant 0 : i32
    %dma_start3A_6 = tpu.memref_slice %arg6[%dma_start3A_3, %dma_start3A_4, %dma_start3A_5] : memref<16x50x32xf32, #tpu.memory_space<vmem>> -> memref<1x50x32xf32, #tpu.memory_space<vmem>>
    %dma_start3A_7 = tpu.memref_squeeze %dma_start3A_6 : memref<1x50x32xf32, #tpu.memory_space<vmem>> -> memref<50x32xf32, #tpu.memory_space<vmem>>
    %dma_start3A_8 = arith.constant 0 : i32
    %dma_start3A_9 = tpu.memref_slice %arg5[%dma_start3A, %dma_start3A_8] : memref<128x50xi32, #tpu.memory_space<vmem>> -> memref<1x50xi32, #tpu.memory_space<vmem>>
    %dma_start3A_10 = tpu.memref_squeeze %dma_start3A_9 : memref<1x50xi32, #tpu.memory_space<vmem>> -> memref<50xi32, #tpu.memory_space<vmem>>
    %dma_start3A_11 = arith.constant 0 : i32
    %dma_start3A_12 = arith.constant 0 : i32
    %dma_start3A_13 = tpu.memref_slice %arg3[%dma_start3A_11, %dma_start3A_12] : memref<1000000x32xf32, #tpu.memory_space<hbm>> -> memref<1000000x32xf32, #tpu.memory_space<hbm>>
    tpu.enqueue_indirect_dma source(%dma_start3A_13 : memref<1000000x32xf32, #tpu.memory_space<hbm>>) target(%dma_start3A_7 : memref<50x32xf32, #tpu.memory_space<vmem>>) offsets(%dma_start3A_10 : memref<50xi32, #tpu.memory_space<vmem>>) semaphore(%arg8 : memref<!tpu.dma_semaphore, #tpu.memory_space<semaphore_mem>>)
    %dma_start3A_14 = arith.constant 1 : i32
    %dma_start3A_15 = arith.constant 1 : i32
    %dma_start3A_16 = arith.constant 0 : i32
    %dma_start3A_17 = arith.constant 0 : i32
    %dma_start3A_18 = tpu.memref_slice %arg6[%dma_start3A_15, %dma_start3A_16, %dma_start3A_17] : memref<16x50x32xf32, #tpu.memory_space<vmem>> -> memref<1x50x32xf32, #tpu.memory_space<vmem>>
    %dma_start3A_19 = tpu.memref_squeeze %dma_start3A_18 : memref<1x50x32xf32, #tpu.memory_space<vmem>> -> memref<50x32xf32, #tpu.memory_space<vmem>>
    %dma_start3A_20 = arith.constant 0 : i32
    %dma_start3A_21 = tpu.memref_slice %arg5[%dma_start3A_14, %dma_start3A_20] : memref<128x50xi32, #tpu.memory_space<vmem>> -> memref<1x50xi32, #tpu.memory_space<vmem>>
    %dma_start3A_22 = tpu.memref_squeeze %dma_start3A_21 : memref<1x50xi32, #tpu.memory_space<vmem>> -> memref<50xi32, #tpu.memory_space<vmem>>
    %dma_start3A_23 = arith.constant 0 : i32
    %dma_start3A_24 = arith.constant 0 : i32
    %dma_start3A_25 = tpu.memref_slice %arg3[%dma_start3A_23, %dma_start3A_24] : memref<1000000x32xf32, #tpu.memory_space<hbm>> -> memref<1000000x32xf32, #tpu.memory_space<hbm>>
    tpu.enqueue_indirect_dma source(%dma_start3A_25 : memref<1000000x32xf32, #tpu.memory_space<hbm>>) target(%dma_start3A_19 : memref<50x32xf32, #tpu.memory_space<vmem>>) offsets(%dma_start3A_22 : memref<50xi32, #tpu.memory_space<vmem>>) semaphore(%arg8 : memref<!tpu.dma_semaphore, #tpu.memory_space<semaphore_mem>>)
    %dma_start3A_26 = arith.constant 2 : i32
    %dma_start3A_27 = arith.constant 2 : i32
    %dma_start3A_28 = arith.constant 0 : i32
    %dma_start3A_29 = arith.constant 0 : i32
    %dma_start3A_30 = tpu.memref_slice %arg6[%dma_start3A_27, %dma_start3A_28, %dma_start3A_29] : memref<16x50x32xf32, #tpu.memory_space<vmem>> -> memref<1x50x32xf32, #tpu.memory_space<vmem>>
    %dma_start3A_31 = tpu.memref_squeeze %dma_start3A_30 : memref<1x50x32xf32, #tpu.memory_space<vmem>> -> memref<50x32xf32, #tpu.memory_space<vmem>>
    %dma_start3A_32 = arith.constant 0 : i32
    %dma_start3A_33 = tpu.memref_slice %arg5[%dma_start3A_26, %dma_start3A_32] : memref<128x50xi32, #tpu.memory_space<vmem>> -> memref<1x50xi32, #tpu.memory_space<vmem>>
    %dma_start3A_34 = tpu.memref_squeeze %dma_start3A_33 : memref<1x50xi32, #tpu.memory_space<vmem>> -> memref<50xi32, #tpu.memory_space<vmem>>
    %dma_start3A_35 = arith.constant 0 : i32
    %dma_start3A_36 = arith.constant 0 : i32
    %dma_start3A_37 = tpu.memref_slice %arg3[%dma_start3A_35, %dma_start3A_36] : memref<1000000x32xf32, #tpu.memory_space<hbm>> -> memref<1000000x32xf32, #tpu.memory_space<hbm>>
    tpu.enqueue_indirect_dma source(%dma_start3A_37 : memref<1000000x32xf32, #tpu.memory_space<hbm>>) target(%dma_start3A_31 : memref<50x32xf32, #tpu.memory_space<vmem>>) offsets(%dma_start3A_34 : memref<50xi32, #tpu.memory_space<vmem>>) semaphore(%arg8 : memref<!tpu.dma_semaphore, #tpu.memory_space<semaphore_mem>>)
    %dma_start3A_38 = arith.constant 3 : i32
    %dma_start3A_39 = arith.constant 3 : i32
    %dma_start3A_40 = arith.constant 0 : i32
    %dma_start3A_41 = arith.constant 0 : i32
    %dma_start3A_42 = tpu.memref_slice %arg6[%dma_start3A_39, %dma_start3A_40, %dma_start3A_41] : memref<16x50x32xf32, #tpu.memory_space<vmem>> -> memref<1x50x32xf32, #tpu.memory_space<vmem>>
    %dma_start3A_43 = tpu.memref_squeeze %dma_start3A_42 : memref<1x50x32xf32, #tpu.memory_space<vmem>> -> memref<50x32xf32, #tpu.memory_space<vmem>>
    %dma_start3A_44 = arith.constant 0 : i32
    %dma_start3A_45 = tpu.memref_slice %arg5[%dma_start3A_38, %dma_start3A_44] : memref<128x50xi32, #tpu.memory_space<vmem>> -> memref<1x50xi32, #tpu.memory_space<vmem>>
    %dma_start3A_46 = tpu.memref_squeeze %dma_start3A_45 : memref<1x50xi32, #tpu.memory_space<vmem>> -> memref<50xi32, #tpu.memory_space<vmem>>
    %dma_start3A_47 = arith.constant 0 : i32
    %dma_start3A_48 = arith.constant 0 : i32
    %dma_start3A_49 = tpu.memref_slice %arg3[%dma_start3A_47, %dma_start3A_48] : memref<1000000x32xf32, #tpu.memory_space<hbm>> -> memref<1000000x32xf32, #tpu.memory_space<hbm>>
    tpu.enqueue_indirect_dma source(%dma_start3A_49 : memref<1000000x32xf32, #tpu.memory_space<hbm>>) target(%dma_start3A_43 : memref<50x32xf32, #tpu.memory_space<vmem>>) offsets(%dma_start3A_46 : memref<50xi32, #tpu.memory_space<vmem>>) semaphore(%arg8 : memref<!tpu.dma_semaphore, #tpu.memory_space<semaphore_mem>>)
    %dma_start3A_50 = arith.constant 4 : i32
    %dma_start3A_51 = arith.constant 4 : i32
    %dma_start3A_52 = arith.constant 0 : i32
    %dma_start3A_53 = arith.constant 0 : i32
    %dma_start3A_54 = tpu.memref_slice %arg6[%dma_start3A_51, %dma_start3A_52, %dma_start3A_53] : memref<16x50x32xf32, #tpu.memory_space<vmem>> -> memref<1x50x32xf32, #tpu.memory_space<vmem>>
    %dma_start3A_55 = tpu.memref_squeeze %dma_start3A_54 : memref<1x50x32xf32, #tpu.memory_space<vmem>> -> memref<50x32xf32, #tpu.memory_space<vmem>>
    %dma_start3A_56 = arith.constant 0 : i32
    %dma_start3A_57 = tpu.memref_slice %arg5[%dma_start3A_50, %dma_start3A_56] : memref<128x50xi32, #tpu.memory_space<vmem>> -> memref<1x50xi32, #tpu.memory_space<vmem>>
    %dma_start3A_58 = tpu.memref_squeeze %dma_start3A_57 : memref<1x50xi32, #tpu.memory_space<vmem>> -> memref<50xi32, #tpu.memory_space<vmem>>
    %dma_start3A_59 = arith.constant 0 : i32
    %dma_start3A_60 = arith.constant 0 : i32
    %dma_start3A_61 = tpu.memref_slice %arg3[%dma_start3A_59, %dma_start3A_60] : memref<1000000x32xf32, #tpu.memory_space<hbm>> -> memref<1000000x32xf32, #tpu.memory_space<hbm>>
    tpu.enqueue_indirect_dma source(%dma_start3A_61 : memref<1000000x32xf32, #tpu.memory_space<hbm>>) target(%dma_start3A_55 : memref<50x32xf32, #tpu.memory_space<vmem>>) offsets(%dma_start3A_58 : memref<50xi32, #tpu.memory_space<vmem>>) semaphore(%arg8 : memref<!tpu.dma_semaphore, #tpu.memory_space<semaphore_mem>>)
    %dma_start3A_62 = arith.constant 5 : i32
    %dma_start3A_63 = arith.constant 5 : i32
    %dma_start3A_64 = arith.constant 0 : i32
    %dma_start3A_65 = arith.constant 0 : i32
    %dma_start3A_66 = tpu.memref_slice %arg6[%dma_start3A_63, %dma_start3A_64, %dma_start3A_65] : memref<16x50x32xf32, #tpu.memory_space<vmem>> -> memref<1x50x32xf32, #tpu.memory_space<vmem>>
    %dma_start3A_67 = tpu.memref_squeeze %dma_start3A_66 : memref<1x50x32xf32, #tpu.memory_space<vmem>> -> memref<50x32xf32, #tpu.memory_space<vmem>>
    %dma_start3A_68 = arith.constant 0 : i32
    %dma_start3A_69 = tpu.memref_slice %arg5[%dma_start3A_62, %dma_start3A_68] : memref<128x50xi32, #tpu.memory_space<vmem>> -> memref<1x50xi32, #tpu.memory_space<vmem>>
    %dma_start3A_70 = tpu.memref_squeeze %dma_start3A_69 : memref<1x50xi32, #tpu.memory_space<vmem>> -> memref<50xi32, #tpu.memory_space<vmem>>
    %dma_start3A_71 = arith.constant 0 : i32
    %dma_start3A_72 = arith.constant 0 : i32
    %dma_start3A_73 = tpu.memref_slice %arg3[%dma_start3A_71, %dma_start3A_72] : memref<1000000x32xf32, #tpu.memory_space<hbm>> -> memref<1000000x32xf32, #tpu.memory_space<hbm>>
    tpu.enqueue_indirect_dma source(%dma_start3A_73 : memref<1000000x32xf32, #tpu.memory_space<hbm>>) target(%dma_start3A_67 : memref<50x32xf32, #tpu.memory_space<vmem>>) offsets(%dma_start3A_70 : memref<50xi32, #tpu.memory_space<vmem>>) semaphore(%arg8 : memref<!tpu.dma_semaphore, #tpu.memory_space<semaphore_mem>>)
    %dma_start3A_74 = arith.constant 6 : i32
    %dma_start3A_75 = arith.constant 6 : i32
    %dma_start3A_76 = arith.constant 0 : i32
    %dma_start3A_77 = arith.constant 0 : i32
    %dma_start3A_78 = tpu.memref_slice %arg6[%dma_start3A_75, %dma_start3A_76, %dma_start3A_77] : memref<16x50x32xf32, #tpu.memory_space<vmem>> -> memref<1x50x32xf32, #tpu.memory_space<vmem>>
    %dma_start3A_79 = tpu.memref_squeeze %dma_start3A_78 : memref<1x50x32xf32, #tpu.memory_space<vmem>> -> memref<50x32xf32, #tpu.memory_space<vmem>>
    %dma_start3A_80 = arith.constant 0 : i32
    %dma_start3A_81 = tpu.memref_slice %arg5[%dma_start3A_74, %dma_start3A_80] : memref<128x50xi32, #tpu.memory_space<vmem>> -> memref<1x50xi32, #tpu.memory_space<vmem>>
    %dma_start3A_82 = tpu.memref_squeeze %dma_start3A_81 : memref<1x50xi32, #tpu.memory_space<vmem>> -> memref<50xi32, #tpu.memory_space<vmem>>
    %dma_start3A_83 = arith.constant 0 : i32
    %dma_start3A_84 = arith.constant 0 : i32
    %dma_start3A_85 = tpu.memref_slice %arg3[%dma_start3A_83, %dma_start3A_84] : memref<1000000x32xf32, #tpu.memory_space<hbm>> -> memref<1000000x32xf32, #tpu.memory_space<hbm>>
    tpu.enqueue_indirect_dma source(%dma_start3A_85 : memref<1000000x32xf32, #tpu.memory_space<hbm>>) target(%dma_start3A_79 : memref<50x32xf32, #tpu.memory_space<vmem>>) offsets(%dma_start3A_82 : memref<50xi32, #tpu.memory_space<vmem>>) semaphore(%arg8 : memref<!tpu.dma_semaphore, #tpu.memory_space<semaphore_mem>>)
    %dma_start3A_86 = arith.constant 7 : i32
    %dma_start3A_87 = arith.constant 7 : i32
    %dma_start3A_88 = arith.constant 0 : i32
    %dma_start3A_89 = arith.constant 0 : i32
    %dma_start3A_90 = tpu.memref_slice %arg6[%dma_start3A_87, %dma_start3A_88, %dma_start3A_89] : memref<16x50x32xf32, #tpu.memory_space<vmem>> -> memref<1x50x32xf32, #tpu.memory_space<vmem>>
    %dma_start3A_91 = tpu.memref_squeeze %dma_start3A_90 : memref<1x50x32xf32, #tpu.memory_space<vmem>> -> memref<50x32xf32, #tpu.memory_space<vmem>>
    %dma_start3A_92 = arith.constant 0 : i32
    %dma_start3A_93 = tpu.memref_slice %arg5[%dma_start3A_86, %dma_start3A_92] : memref<128x50xi32, #tpu.memory_space<vmem>> -> memref<1x50xi32, #tpu.memory_space<vmem>>
    %dma_start3A_94 = tpu.memref_squeeze %dma_start3A_93 : memref<1x50xi32, #tpu.memory_space<vmem>> -> memref<50xi32, #tpu.memory_space<vmem>>
    %dma_start3A_95 = arith.constant 0 : i32
    %dma_start3A_96 = arith.constant 0 : i32
    %dma_start3A_97 = tpu.memref_slice %arg3[%dma_start3A_95, %dma_start3A_96] : memref<1000000x32xf32, #tpu.memory_space<hbm>> -> memref<1000000x32xf32, #tpu.memory_space<hbm>>
    tpu.enqueue_indirect_dma source(%dma_start3A_97 : memref<1000000x32xf32, #tpu.memory_space<hbm>>) target(%dma_start3A_91 : memref<50x32xf32, #tpu.memory_space<vmem>>) offsets(%dma_start3A_94 : memref<50xi32, #tpu.memory_space<vmem>>) semaphore(%arg8 : memref<!tpu.dma_semaphore, #tpu.memory_space<semaphore_mem>>)
    %dma_start3A_98 = arith.constant 8 : i32
    %dma_start3A_99 = arith.constant 8 : i32
    %dma_start3A_100 = arith.constant 0 : i32
    %dma_start3A_101 = arith.constant 0 : i32
    %dma_start3A_102 = tpu.memref_slice %arg6[%dma_start3A_99, %dma_start3A_100, %dma_start3A_101] : memref<16x50x32xf32, #tpu.memory_space<vmem>> -> memref<1x50x32xf32, #tpu.memory_space<vmem>>
    %dma_start3A_103 = tpu.memref_squeeze %dma_start3A_102 : memref<1x50x32xf32, #tpu.memory_space<vmem>> -> memref<50x32xf32, #tpu.memory_space<vmem>>
    %dma_start3A_104 = arith.constant 0 : i32
    %dma_start3A_105 = tpu.memref_slice %arg5[%dma_start3A_98, %dma_start3A_104] : memref<128x50xi32, #tpu.memory_space<vmem>> -> memref<1x50xi32, #tpu.memory_space<vmem>>
    %dma_start3A_106 = tpu.memref_squeeze %dma_start3A_105 : memref<1x50xi32, #tpu.memory_space<vmem>> -> memref<50xi32, #tpu.memory_space<vmem>>
    %dma_start3A_107 = arith.constant 0 : i32
    %dma_start3A_108 = arith.constant 0 : i32
    %dma_start3A_109 = tpu.memref_slice %arg3[%dma_start3A_107, %dma_start3A_108] : memref<1000000x32xf32, #tpu.memory_space<hbm>> -> memref<1000000x32xf32, #tpu.memory_space<hbm>>
    tpu.enqueue_indirect_dma source(%dma_start3A_109 : memref<1000000x32xf32, #tpu.memory_space<hbm>>) target(%dma_start3A_103 : memref<50x32xf32, #tpu.memory_space<vmem>>) offsets(%dma_start3A_106 : memref<50xi32, #tpu.memory_space<vmem>>) semaphore(%arg8 : memref<!tpu.dma_semaphore, #tpu.memory_space<semaphore_mem>>)
    %dma_start3A_110 = arith.constant 9 : i32
    %dma_start3A_111 = arith.constant 9 : i32
    %dma_start3A_112 = arith.constant 0 : i32
    %dma_start3A_113 = arith.constant 0 : i32
    %dma_start3A_114 = tpu.memref_slice %arg6[%dma_start3A_111, %dma_start3A_112, %dma_start3A_113] : memref<16x50x32xf32, #tpu.memory_space<vmem>> -> memref<1x50x32xf32, #tpu.memory_space<vmem>>
    %dma_start3A_115 = tpu.memref_squeeze %dma_start3A_114 : memref<1x50x32xf32, #tpu.memory_space<vmem>> -> memref<50x32xf32, #tpu.memory_space<vmem>>
    %dma_start3A_116 = arith.constant 0 : i32
    %dma_start3A_117 = tpu.memref_slice %arg5[%dma_start3A_110, %dma_start3A_116] : memref<128x50xi32, #tpu.memory_space<vmem>> -> memref<1x50xi32, #tpu.memory_space<vmem>>
    %dma_start3A_118 = tpu.memref_squeeze %dma_start3A_117 : memref<1x50xi32, #tpu.memory_space<vmem>> -> memref<50xi32, #tpu.memory_space<vmem>>
    %dma_start3A_119 = arith.constant 0 : i32
    %dma_start3A_120 = arith.constant 0 : i32
    %dma_start3A_121 = tpu.memref_slice %arg3[%dma_start3A_119, %dma_start3A_120] : memref<1000000x32xf32, #tpu.memory_space<hbm>> -> memref<1000000x32xf32, #tpu.memory_space<hbm>>
    tpu.enqueue_indirect_dma source(%dma_start3A_121 : memref<1000000x32xf32, #tpu.memory_space<hbm>>) target(%dma_start3A_115 : memref<50x32xf32, #tpu.memory_space<vmem>>) offsets(%dma_start3A_118 : memref<50xi32, #tpu.memory_space<vmem>>) semaphore(%arg8 : memref<!tpu.dma_semaphore, #tpu.memory_space<semaphore_mem>>)
    %dma_start3A_122 = arith.constant 10 : i32
    %dma_start3A_123 = arith.constant 10 : i32
    %dma_start3A_124 = arith.constant 0 : i32
    %dma_start3A_125 = arith.constant 0 : i32
    %dma_start3A_126 = tpu.memref_slice %arg6[%dma_start3A_123, %dma_start3A_124, %dma_start3A_125] : memref<16x50x32xf32, #tpu.memory_space<vmem>> -> memref<1x50x32xf32, #tpu.memory_space<vmem>>
    %dma_start3A_127 = tpu.memref_squeeze %dma_start3A_126 : memref<1x50x32xf32, #tpu.memory_space<vmem>> -> memref<50x32xf32, #tpu.memory_space<vmem>>
    %dma_start3A_128 = arith.constant 0 : i32
    %dma_start3A_129 = tpu.memref_slice %arg5[%dma_start3A_122, %dma_start3A_128] : memref<128x50xi32, #tpu.memory_space<vmem>> -> memref<1x50xi32, #tpu.memory_space<vmem>>
    %dma_start3A_130 = tpu.memref_squeeze %dma_start3A_129 : memref<1x50xi32, #tpu.memory_space<vmem>> -> memref<50xi32, #tpu.memory_space<vmem>>
    %dma_start3A_131 = arith.constant 0 : i32
    %dma_start3A_132 = arith.constant 0 : i32
    %dma_start3A_133 = tpu.memref_slice %arg3[%dma_start3A_131, %dma_start3A_132] : memref<1000000x32xf32, #tpu.memory_space<hbm>> -> memref<1000000x32xf32, #tpu.memory_space<hbm>>
    tpu.enqueue_indirect_dma source(%dma_start3A_133 : memref<1000000x32xf32, #tpu.memory_space<hbm>>) target(%dma_start3A_127 : memref<50x32xf32, #tpu.memory_space<vmem>>) offsets(%dma_start3A_130 : memref<50xi32, #tpu.memory_space<vmem>>) semaphore(%arg8 : memref<!tpu.dma_semaphore, #tpu.memory_space<semaphore_mem>>)
    %dma_start3A_134 = arith.constant 11 : i32
    %dma_start3A_135 = arith.constant 11 : i32
    %dma_start3A_136 = arith.constant 0 : i32
    %dma_start3A_137 = arith.constant 0 : i32
    %dma_start3A_138 = tpu.memref_slice %arg6[%dma_start3A_135, %dma_start3A_136, %dma_start3A_137] : memref<16x50x32xf32, #tpu.memory_space<vmem>> -> memref<1x50x32xf32, #tpu.memory_space<vmem>>
    %dma_start3A_139 = tpu.memref_squeeze %dma_start3A_138 : memref<1x50x32xf32, #tpu.memory_space<vmem>> -> memref<50x32xf32, #tpu.memory_space<vmem>>
    %dma_start3A_140 = arith.constant 0 : i32
    %dma_start3A_141 = tpu.memref_slice %arg5[%dma_start3A_134, %dma_start3A_140] : memref<128x50xi32, #tpu.memory_space<vmem>> -> memref<1x50xi32, #tpu.memory_space<vmem>>
    %dma_start3A_142 = tpu.memref_squeeze %dma_start3A_141 : memref<1x50xi32, #tpu.memory_space<vmem>> -> memref<50xi32, #tpu.memory_space<vmem>>
    %dma_start3A_143 = arith.constant 0 : i32
    %dma_start3A_144 = arith.constant 0 : i32
    %dma_start3A_145 = tpu.memref_slice %arg3[%dma_start3A_143, %dma_start3A_144] : memref<1000000x32xf32, #tpu.memory_space<hbm>> -> memref<1000000x32xf32, #tpu.memory_space<hbm>>
    tpu.enqueue_indirect_dma source(%dma_start3A_145 : memref<1000000x32xf32, #tpu.memory_space<hbm>>) target(%dma_start3A_139 : memref<50x32xf32, #tpu.memory_space<vmem>>) offsets(%dma_start3A_142 : memref<50xi32, #tpu.memory_space<vmem>>) semaphore(%arg8 : memref<!tpu.dma_semaphore, #tpu.memory_space<semaphore_mem>>)
    %dma_start3A_146 = arith.constant 12 : i32
    %dma_start3A_147 = arith.constant 12 : i32
    %dma_start3A_148 = arith.constant 0 : i32
    %dma_start3A_149 = arith.constant 0 : i32
    %dma_start3A_150 = tpu.memref_slice %arg6[%dma_start3A_147, %dma_start3A_148, %dma_start3A_149] : memref<16x50x32xf32, #tpu.memory_space<vmem>> -> memref<1x50x32xf32, #tpu.memory_space<vmem>>
    %dma_start3A_151 = tpu.memref_squeeze %dma_start3A_150 : memref<1x50x32xf32, #tpu.memory_space<vmem>> -> memref<50x32xf32, #tpu.memory_space<vmem>>
    %dma_start3A_152 = arith.constant 0 : i32
    %dma_start3A_153 = tpu.memref_slice %arg5[%dma_start3A_146, %dma_start3A_152] : memref<128x50xi32, #tpu.memory_space<vmem>> -> memref<1x50xi32, #tpu.memory_space<vmem>>
    %dma_start3A_154 = tpu.memref_squeeze %dma_start3A_153 : memref<1x50xi32, #tpu.memory_space<vmem>> -> memref<50xi32, #tpu.memory_space<vmem>>
    %dma_start3A_155 = arith.constant 0 : i32
    %dma_start3A_156 = arith.constant 0 : i32
    %dma_start3A_157 = tpu.memref_slice %arg3[%dma_start3A_155, %dma_start3A_156] : memref<1000000x32xf32, #tpu.memory_space<hbm>> -> memref<1000000x32xf32, #tpu.memory_space<hbm>>
    tpu.enqueue_indirect_dma source(%dma_start3A_157 : memref<1000000x32xf32, #tpu.memory_space<hbm>>) target(%dma_start3A_151 : memref<50x32xf32, #tpu.memory_space<vmem>>) offsets(%dma_start3A_154 : memref<50xi32, #tpu.memory_space<vmem>>) semaphore(%arg8 : memref<!tpu.dma_semaphore, #tpu.memory_space<semaphore_mem>>)
    %dma_start3A_158 = arith.constant 13 : i32
    %dma_start3A_159 = arith.constant 13 : i32
    %dma_start3A_160 = arith.constant 0 : i32
    %dma_start3A_161 = arith.constant 0 : i32
    %dma_start3A_162 = tpu.memref_slice %arg6[%dma_start3A_159, %dma_start3A_160, %dma_start3A_161] : memref<16x50x32xf32, #tpu.memory_space<vmem>> -> memref<1x50x32xf32, #tpu.memory_space<vmem>>
    %dma_start3A_163 = tpu.memref_squeeze %dma_start3A_162 : memref<1x50x32xf32, #tpu.memory_space<vmem>> -> memref<50x32xf32, #tpu.memory_space<vmem>>
    %dma_start3A_164 = arith.constant 0 : i32
    %dma_start3A_165 = tpu.memref_slice %arg5[%dma_start3A_158, %dma_start3A_164] : memref<128x50xi32, #tpu.memory_space<vmem>> -> memref<1x50xi32, #tpu.memory_space<vmem>>
    %dma_start3A_166 = tpu.memref_squeeze %dma_start3A_165 : memref<1x50xi32, #tpu.memory_space<vmem>> -> memref<50xi32, #tpu.memory_space<vmem>>
    %dma_start3A_167 = arith.constant 0 : i32
    %dma_start3A_168 = arith.constant 0 : i32
    %dma_start3A_169 = tpu.memref_slice %arg3[%dma_start3A_167, %dma_start3A_168] : memref<1000000x32xf32, #tpu.memory_space<hbm>> -> memref<1000000x32xf32, #tpu.memory_space<hbm>>
    tpu.enqueue_indirect_dma source(%dma_start3A_169 : memref<1000000x32xf32, #tpu.memory_space<hbm>>) target(%dma_start3A_163 : memref<50x32xf32, #tpu.memory_space<vmem>>) offsets(%dma_start3A_166 : memref<50xi32, #tpu.memory_space<vmem>>) semaphore(%arg8 : memref<!tpu.dma_semaphore, #tpu.memory_space<semaphore_mem>>)
    %dma_start3A_170 = arith.constant 14 : i32
    %dma_start3A_171 = arith.constant 14 : i32
    %dma_start3A_172 = arith.constant 0 : i32
    %dma_start3A_173 = arith.constant 0 : i32
    %dma_start3A_174 = tpu.memref_slice %arg6[%dma_start3A_171, %dma_start3A_172, %dma_start3A_173] : memref<16x50x32xf32, #tpu.memory_space<vmem>> -> memref<1x50x32xf32, #tpu.memory_space<vmem>>
    %dma_start3A_175 = tpu.memref_squeeze %dma_start3A_174 : memref<1x50x32xf32, #tpu.memory_space<vmem>> -> memref<50x32xf32, #tpu.memory_space<vmem>>
    %dma_start3A_176 = arith.constant 0 : i32
    %dma_start3A_177 = tpu.memref_slice %arg5[%dma_start3A_170, %dma_start3A_176] : memref<128x50xi32, #tpu.memory_space<vmem>> -> memref<1x50xi32, #tpu.memory_space<vmem>>
    %dma_start3A_178 = tpu.memref_squeeze %dma_start3A_177 : memref<1x50xi32, #tpu.memory_space<vmem>> -> memref<50xi32, #tpu.memory_space<vmem>>
    %dma_start3A_179 = arith.constant 0 : i32
    %dma_start3A_180 = arith.constant 0 : i32
    %dma_start3A_181 = tpu.memref_slice %arg3[%dma_start3A_179, %dma_start3A_180] : memref<1000000x32xf32, #tpu.memory_space<hbm>> -> memref<1000000x32xf32, #tpu.memory_space<hbm>>
    tpu.enqueue_indirect_dma source(%dma_start3A_181 : memref<1000000x32xf32, #tpu.memory_space<hbm>>) target(%dma_start3A_175 : memref<50x32xf32, #tpu.memory_space<vmem>>) offsets(%dma_start3A_178 : memref<50xi32, #tpu.memory_space<vmem>>) semaphore(%arg8 : memref<!tpu.dma_semaphore, #tpu.memory_space<semaphore_mem>>)
    %dma_start3A_182 = arith.constant 15 : i32
    %dma_start3A_183 = arith.constant 15 : i32
    %dma_start3A_184 = arith.constant 0 : i32
    %dma_start3A_185 = arith.constant 0 : i32
    %dma_start3A_186 = tpu.memref_slice %arg6[%dma_start3A_183, %dma_start3A_184, %dma_start3A_185] : memref<16x50x32xf32, #tpu.memory_space<vmem>> -> memref<1x50x32xf32, #tpu.memory_space<vmem>>
    %dma_start3A_187 = tpu.memref_squeeze %dma_start3A_186 : memref<1x50x32xf32, #tpu.memory_space<vmem>> -> memref<50x32xf32, #tpu.memory_space<vmem>>
    %dma_start3A_188 = arith.constant 0 : i32
    %dma_start3A_189 = tpu.memref_slice %arg5[%dma_start3A_182, %dma_start3A_188] : memref<128x50xi32, #tpu.memory_space<vmem>> -> memref<1x50xi32, #tpu.memory_space<vmem>>
    %dma_start3A_190 = tpu.memref_squeeze %dma_start3A_189 : memref<1x50xi32, #tpu.memory_space<vmem>> -> memref<50xi32, #tpu.memory_space<vmem>>
    %dma_start3A_191 = arith.constant 0 : i32
    %dma_start3A_192 = arith.constant 0 : i32
    %dma_start3A_193 = tpu.memref_slice %arg3[%dma_start3A_191, %dma_start3A_192] : memref<1000000x32xf32, #tpu.memory_space<hbm>> -> memref<1000000x32xf32, #tpu.memory_space<hbm>>
    tpu.enqueue_indirect_dma source(%dma_start3A_193 : memref<1000000x32xf32, #tpu.memory_space<hbm>>) target(%dma_start3A_187 : memref<50x32xf32, #tpu.memory_space<vmem>>) offsets(%dma_start3A_190 : memref<50xi32, #tpu.memory_space<vmem>>) semaphore(%arg8 : memref<!tpu.dma_semaphore, #tpu.memory_space<semaphore_mem>>)
    %dma_start3A_194 = arith.constant 16 : i32
    %dma_start3A_195 = arith.constant 0 : i32
    %dma_start3A_196 = arith.constant 0 : i32
    %dma_start3A_197 = arith.constant 0 : i32
    %dma_start3A_198 = tpu.memref_slice %arg7[%dma_start3A_195, %dma_start3A_196, %dma_start3A_197] : memref<16x50x32xf32, #tpu.memory_space<vmem>> -> memref<1x50x32xf32, #tpu.memory_space<vmem>>
    %dma_start3A_199 = tpu.memref_squeeze %dma_start3A_198 : memref<1x50x32xf32, #tpu.memory_space<vmem>> -> memref<50x32xf32, #tpu.memory_space<vmem>>
    %dma_start3A_200 = arith.constant 0 : i32
    %dma_start3A_201 = tpu.memref_slice %arg5[%dma_start3A_194, %dma_start3A_200] : memref<128x50xi32, #tpu.memory_space<vmem>> -> memref<1x50xi32, #tpu.memory_space<vmem>>
    %dma_start3A_202 = tpu.memref_squeeze %dma_start3A_201 : memref<1x50xi32, #tpu.memory_space<vmem>> -> memref<50xi32, #tpu.memory_space<vmem>>
    %dma_start3A_203 = arith.constant 0 : i32
    %dma_start3A_204 = arith.constant 0 : i32
    %dma_start3A_205 = tpu.memref_slice %arg3[%dma_start3A_203, %dma_start3A_204] : memref<1000000x32xf32, #tpu.memory_space<hbm>> -> memref<1000000x32xf32, #tpu.memory_space<hbm>>
    tpu.enqueue_indirect_dma source(%dma_start3A_205 : memref<1000000x32xf32, #tpu.memory_space<hbm>>) target(%dma_start3A_199 : memref<50x32xf32, #tpu.memory_space<vmem>>) offsets(%dma_start3A_202 : memref<50xi32, #tpu.memory_space<vmem>>) semaphore(%arg9 : memref<!tpu.dma_semaphore, #tpu.memory_space<semaphore_mem>>)
    %dma_start3A_206 = arith.constant 17 : i32
    %dma_start3A_207 = arith.constant 1 : i32
    %dma_start3A_208 = arith.constant 0 : i32
    %dma_start3A_209 = arith.constant 0 : i32
    %dma_start3A_210 = tpu.memref_slice %arg7[%dma_start3A_207, %dma_start3A_208, %dma_start3A_209] : memref<16x50x32xf32, #tpu.memory_space<vmem>> -> memref<1x50x32xf32, #tpu.memory_space<vmem>>
    %dma_start3A_211 = tpu.memref_squeeze %dma_start3A_210 : memref<1x50x32xf32, #tpu.memory_space<vmem>> -> memref<50x32xf32, #tpu.memory_space<vmem>>
    %dma_start3A_212 = arith.constant 0 : i32
    %dma_start3A_213 = tpu.memref_slice %arg5[%dma_start3A_206, %dma_start3A_212] : memref<128x50xi32, #tpu.memory_space<vmem>> -> memref<1x50xi32, #tpu.memory_space<vmem>>
    %dma_start3A_214 = tpu.memref_squeeze %dma_start3A_213 : memref<1x50xi32, #tpu.memory_space<vmem>> -> memref<50xi32, #tpu.memory_space<vmem>>
    %dma_start3A_215 = arith.constant 0 : i32
    %dma_start3A_216 = arith.constant 0 : i32
    %dma_start3A_217 = tpu.memref_slice %arg3[%dma_start3A_215, %dma_start3A_216] : memref<1000000x32xf32, #tpu.memory_space<hbm>> -> memref<1000000x32xf32, #tpu.memory_space<hbm>>
    tpu.enqueue_indirect_dma source(%dma_start3A_217 : memref<1000000x32xf32, #tpu.memory_space<hbm>>) target(%dma_start3A_211 : memref<50x32xf32, #tpu.memory_space<vmem>>) offsets(%dma_start3A_214 : memref<50xi32, #tpu.memory_space<vmem>>) semaphore(%arg9 : memref<!tpu.dma_semaphore, #tpu.memory_space<semaphore_mem>>)
    %dma_start3A_218 = arith.constant 18 : i32
    %dma_start3A_219 = arith.constant 2 : i32
    %dma_start3A_220 = arith.constant 0 : i32
    %dma_start3A_221 = arith.constant 0 : i32
    %dma_start3A_222 = tpu.memref_slice %arg7[%dma_start3A_219, %dma_start3A_220, %dma_start3A_221] : memref<16x50x32xf32, #tpu.memory_space<vmem>> -> memref<1x50x32xf32, #tpu.memory_space<vmem>>
    %dma_start3A_223 = tpu.memref_squeeze %dma_start3A_222 : memref<1x50x32xf32, #tpu.memory_space<vmem>> -> memref<50x32xf32, #tpu.memory_space<vmem>>
    %dma_start3A_224 = arith.constant 0 : i32
    %dma_start3A_225 = tpu.memref_slice %arg5[%dma_start3A_218, %dma_start3A_224] : memref<128x50xi32, #tpu.memory_space<vmem>> -> memref<1x50xi32, #tpu.memory_space<vmem>>
    %dma_start3A_226 = tpu.memref_squeeze %dma_start3A_225 : memref<1x50xi32, #tpu.memory_space<vmem>> -> memref<50xi32, #tpu.memory_space<vmem>>
    %dma_start3A_227 = arith.constant 0 : i32
    %dma_start3A_228 = arith.constant 0 : i32
    %dma_start3A_229 = tpu.memref_slice %arg3[%dma_start3A_227, %dma_start3A_228] : memref<1000000x32xf32, #tpu.memory_space<hbm>> -> memref<1000000x32xf32, #tpu.memory_space<hbm>>
    tpu.enqueue_indirect_dma source(%dma_start3A_229 : memref<1000000x32xf32, #tpu.memory_space<hbm>>) target(%dma_start3A_223 : memref<50x32xf32, #tpu.memory_space<vmem>>) offsets(%dma_start3A_226 : memref<50xi32, #tpu.memory_space<vmem>>) semaphore(%arg9 : memref<!tpu.dma_semaphore, #tpu.memory_space<semaphore_mem>>)
    %dma_start3A_230 = arith.constant 19 : i32
    %dma_start3A_231 = arith.constant 3 : i32
    %dma_start3A_232 = arith.constant 0 : i32
    %dma_start3A_233 = arith.constant 0 : i32
    %dma_start3A_234 = tpu.memref_slice %arg7[%dma_start3A_231, %dma_start3A_232, %dma_start3A_233] : memref<16x50x32xf32, #tpu.memory_space<vmem>> -> memref<1x50x32xf32, #tpu.memory_space<vmem>>
    %dma_start3A_235 = tpu.memref_squeeze %dma_start3A_234 : memref<1x50x32xf32, #tpu.memory_space<vmem>> -> memref<50x32xf32, #tpu.memory_space<vmem>>
    %dma_start3A_236 = arith.constant 0 : i32
    %dma_start3A_237 = tpu.memref_slice %arg5[%dma_start3A_230, %dma_start3A_236] : memref<128x50xi32, #tpu.memory_space<vmem>> -> memref<1x50xi32, #tpu.memory_space<vmem>>
    %dma_start3A_238 = tpu.memref_squeeze %dma_start3A_237 : memref<1x50xi32, #tpu.memory_space<vmem>> -> memref<50xi32, #tpu.memory_space<vmem>>
    %dma_start3A_239 = arith.constant 0 : i32
    %dma_start3A_240 = arith.constant 0 : i32
    %dma_start3A_241 = tpu.memref_slice %arg3[%dma_start3A_239, %dma_start3A_240] : memref<1000000x32xf32, #tpu.memory_space<hbm>> -> memref<1000000x32xf32, #tpu.memory_space<hbm>>
    tpu.enqueue_indirect_dma source(%dma_start3A_241 : memref<1000000x32xf32, #tpu.memory_space<hbm>>) target(%dma_start3A_235 : memref<50x32xf32, #tpu.memory_space<vmem>>) offsets(%dma_start3A_238 : memref<50xi32, #tpu.memory_space<vmem>>) semaphore(%arg9 : memref<!tpu.dma_semaphore, #tpu.memory_space<semaphore_mem>>)
    %dma_start3A_242 = arith.constant 20 : i32
    %dma_start3A_243 = arith.constant 4 : i32
    %dma_start3A_244 = arith.constant 0 : i32
    %dma_start3A_245 = arith.constant 0 : i32
    %dma_start3A_246 = tpu.memref_slice %arg7[%dma_start3A_243, %dma_start3A_244, %dma_start3A_245] : memref<16x50x32xf32, #tpu.memory_space<vmem>> -> memref<1x50x32xf32, #tpu.memory_space<vmem>>
    %dma_start3A_247 = tpu.memref_squeeze %dma_start3A_246 : memref<1x50x32xf32, #tpu.memory_space<vmem>> -> memref<50x32xf32, #tpu.memory_space<vmem>>
    %dma_start3A_248 = arith.constant 0 : i32
    %dma_start3A_249 = tpu.memref_slice %arg5[%dma_start3A_242, %dma_start3A_248] : memref<128x50xi32, #tpu.memory_space<vmem>> -> memref<1x50xi32, #tpu.memory_space<vmem>>
    %dma_start3A_250 = tpu.memref_squeeze %dma_start3A_249 : memref<1x50xi32, #tpu.memory_space<vmem>> -> memref<50xi32, #tpu.memory_space<vmem>>
    %dma_start3A_251 = arith.constant 0 : i32
    %dma_start3A_252 = arith.constant 0 : i32
    %dma_start3A_253 = tpu.memref_slice %arg3[%dma_start3A_251, %dma_start3A_252] : memref<1000000x32xf32, #tpu.memory_space<hbm>> -> memref<1000000x32xf32, #tpu.memory_space<hbm>>
    tpu.enqueue_indirect_dma source(%dma_start3A_253 : memref<1000000x32xf32, #tpu.memory_space<hbm>>) target(%dma_start3A_247 : memref<50x32xf32, #tpu.memory_space<vmem>>) offsets(%dma_start3A_250 : memref<50xi32, #tpu.memory_space<vmem>>) semaphore(%arg9 : memref<!tpu.dma_semaphore, #tpu.memory_space<semaphore_mem>>)
    %dma_start3A_254 = arith.constant 21 : i32
    %dma_start3A_255 = arith.constant 5 : i32
    %dma_start3A_256 = arith.constant 0 : i32
    %dma_start3A_257 = arith.constant 0 : i32
    %dma_start3A_258 = tpu.memref_slice %arg7[%dma_start3A_255, %dma_start3A_256, %dma_start3A_257] : memref<16x50x32xf32, #tpu.memory_space<vmem>> -> memref<1x50x32xf32, #tpu.memory_space<vmem>>
    %dma_start3A_259 = tpu.memref_squeeze %dma_start3A_258 : memref<1x50x32xf32, #tpu.memory_space<vmem>> -> memref<50x32xf32, #tpu.memory_space<vmem>>
    %dma_start3A_260 = arith.constant 0 : i32
    %dma_start3A_261 = tpu.memref_slice %arg5[%dma_start3A_254, %dma_start3A_260] : memref<128x50xi32, #tpu.memory_space<vmem>> -> memref<1x50xi32, #tpu.memory_space<vmem>>
    %dma_start3A_262 = tpu.memref_squeeze %dma_start3A_261 : memref<1x50xi32, #tpu.memory_space<vmem>> -> memref<50xi32, #tpu.memory_space<vmem>>
    %dma_start3A_263 = arith.constant 0 : i32
    %dma_start3A_264 = arith.constant 0 : i32
    %dma_start3A_265 = tpu.memref_slice %arg3[%dma_start3A_263, %dma_start3A_264] : memref<1000000x32xf32, #tpu.memory_space<hbm>> -> memref<1000000x32xf32, #tpu.memory_space<hbm>>
    tpu.enqueue_indirect_dma source(%dma_start3A_265 : memref<1000000x32xf32, #tpu.memory_space<hbm>>) target(%dma_start3A_259 : memref<50x32xf32, #tpu.memory_space<vmem>>) offsets(%dma_start3A_262 : memref<50xi32, #tpu.memory_space<vmem>>) semaphore(%arg9 : memref<!tpu.dma_semaphore, #tpu.memory_space<semaphore_mem>>)
    %dma_start3A_266 = arith.constant 22 : i32
    %dma_start3A_267 = arith.constant 6 : i32
    %dma_start3A_268 = arith.constant 0 : i32
    %dma_start3A_269 = arith.constant 0 : i32
    %dma_start3A_270 = tpu.memref_slice %arg7[%dma_start3A_267, %dma_start3A_268, %dma_start3A_269] : memref<16x50x32xf32, #tpu.memory_space<vmem>> -> memref<1x50x32xf32, #tpu.memory_space<vmem>>
    %dma_start3A_271 = tpu.memref_squeeze %dma_start3A_270 : memref<1x50x32xf32, #tpu.memory_space<vmem>> -> memref<50x32xf32, #tpu.memory_space<vmem>>
    %dma_start3A_272 = arith.constant 0 : i32
    %dma_start3A_273 = tpu.memref_slice %arg5[%dma_start3A_266, %dma_start3A_272] : memref<128x50xi32, #tpu.memory_space<vmem>> -> memref<1x50xi32, #tpu.memory_space<vmem>>
    %dma_start3A_274 = tpu.memref_squeeze %dma_start3A_273 : memref<1x50xi32, #tpu.memory_space<vmem>> -> memref<50xi32, #tpu.memory_space<vmem>>
    %dma_start3A_275 = arith.constant 0 : i32
    %dma_start3A_276 = arith.constant 0 : i32
    %dma_start3A_277 = tpu.memref_slice %arg3[%dma_start3A_275, %dma_start3A_276] : memref<1000000x32xf32, #tpu.memory_space<hbm>> -> memref<1000000x32xf32, #tpu.memory_space<hbm>>
    tpu.enqueue_indirect_dma source(%dma_start3A_277 : memref<1000000x32xf32, #tpu.memory_space<hbm>>) target(%dma_start3A_271 : memref<50x32xf32, #tpu.memory_space<vmem>>) offsets(%dma_start3A_274 : memref<50xi32, #tpu.memory_space<vmem>>) semaphore(%arg9 : memref<!tpu.dma_semaphore, #tpu.memory_space<semaphore_mem>>)
    %dma_start3A_278 = arith.constant 23 : i32
    %dma_start3A_279 = arith.constant 7 : i32
    %dma_start3A_280 = arith.constant 0 : i32
    %dma_start3A_281 = arith.constant 0 : i32
    %dma_start3A_282 = tpu.memref_slice %arg7[%dma_start3A_279, %dma_start3A_280, %dma_start3A_281] : memref<16x50x32xf32, #tpu.memory_space<vmem>> -> memref<1x50x32xf32, #tpu.memory_space<vmem>>
    %dma_start3A_283 = tpu.memref_squeeze %dma_start3A_282 : memref<1x50x32xf32, #tpu.memory_space<vmem>> -> memref<50x32xf32, #tpu.memory_space<vmem>>
    %dma_start3A_284 = arith.constant 0 : i32
    %dma_start3A_285 = tpu.memref_slice %arg5[%dma_start3A_278, %dma_start3A_284] : memref<128x50xi32, #tpu.memory_space<vmem>> -> memref<1x50xi32, #tpu.memory_space<vmem>>
    %dma_start3A_286 = tpu.memref_squeeze %dma_start3A_285 : memref<1x50xi32, #tpu.memory_space<vmem>> -> memref<50xi32, #tpu.memory_space<vmem>>
    %dma_start3A_287 = arith.constant 0 : i32
    %dma_start3A_288 = arith.constant 0 : i32
    %dma_start3A_289 = tpu.memref_slice %arg3[%dma_start3A_287, %dma_start3A_288] : memref<1000000x32xf32, #tpu.memory_space<hbm>> -> memref<1000000x32xf32, #tpu.memory_space<hbm>>
    tpu.enqueue_indirect_dma source(%dma_start3A_289 : memref<1000000x32xf32, #tpu.memory_space<hbm>>) target(%dma_start3A_283 : memref<50x32xf32, #tpu.memory_space<vmem>>) offsets(%dma_start3A_286 : memref<50xi32, #tpu.memory_space<vmem>>) semaphore(%arg9 : memref<!tpu.dma_semaphore, #tpu.memory_space<semaphore_mem>>)
    %dma_start3A_290 = arith.constant 24 : i32
    %dma_start3A_291 = arith.constant 8 : i32
    %dma_start3A_292 = arith.constant 0 : i32
    %dma_start3A_293 = arith.constant 0 : i32
    %dma_start3A_294 = tpu.memref_slice %arg7[%dma_start3A_291, %dma_start3A_292, %dma_start3A_293] : memref<16x50x32xf32, #tpu.memory_space<vmem>> -> memref<1x50x32xf32, #tpu.memory_space<vmem>>
    %dma_start3A_295 = tpu.memref_squeeze %dma_start3A_294 : memref<1x50x32xf32, #tpu.memory_space<vmem>> -> memref<50x32xf32, #tpu.memory_space<vmem>>
    %dma_start3A_296 = arith.constant 0 : i32
    %dma_start3A_297 = tpu.memref_slice %arg5[%dma_start3A_290, %dma_start3A_296] : memref<128x50xi32, #tpu.memory_space<vmem>> -> memref<1x50xi32, #tpu.memory_space<vmem>>
    %dma_start3A_298 = tpu.memref_squeeze %dma_start3A_297 : memref<1x50xi32, #tpu.memory_space<vmem>> -> memref<50xi32, #tpu.memory_space<vmem>>
    %dma_start3A_299 = arith.constant 0 : i32
    %dma_start3A_300 = arith.constant 0 : i32
    %dma_start3A_301 = tpu.memref_slice %arg3[%dma_start3A_299, %dma_start3A_300] : memref<1000000x32xf32, #tpu.memory_space<hbm>> -> memref<1000000x32xf32, #tpu.memory_space<hbm>>
    tpu.enqueue_indirect_dma source(%dma_start3A_301 : memref<1000000x32xf32, #tpu.memory_space<hbm>>) target(%dma_start3A_295 : memref<50x32xf32, #tpu.memory_space<vmem>>) offsets(%dma_start3A_298 : memref<50xi32, #tpu.memory_space<vmem>>) semaphore(%arg9 : memref<!tpu.dma_semaphore, #tpu.memory_space<semaphore_mem>>)
    %dma_start3A_302 = arith.constant 25 : i32
    %dma_start3A_303 = arith.constant 9 : i32
    %dma_start3A_304 = arith.constant 0 : i32
    %dma_start3A_305 = arith.constant 0 : i32
    %dma_start3A_306 = tpu.memref_slice %arg7[%dma_start3A_303, %dma_start3A_304, %dma_start3A_305] : memref<16x50x32xf32, #tpu.memory_space<vmem>> -> memref<1x50x32xf32, #tpu.memory_space<vmem>>
    %dma_start3A_307 = tpu.memref_squeeze %dma_start3A_306 : memref<1x50x32xf32, #tpu.memory_space<vmem>> -> memref<50x32xf32, #tpu.memory_space<vmem>>
    %dma_start3A_308 = arith.constant 0 : i32
    %dma_start3A_309 = tpu.memref_slice %arg5[%dma_start3A_302, %dma_start3A_308] : memref<128x50xi32, #tpu.memory_space<vmem>> -> memref<1x50xi32, #tpu.memory_space<vmem>>
    %dma_start3A_310 = tpu.memref_squeeze %dma_start3A_309 : memref<1x50xi32, #tpu.memory_space<vmem>> -> memref<50xi32, #tpu.memory_space<vmem>>
    %dma_start3A_311 = arith.constant 0 : i32
    %dma_start3A_312 = arith.constant 0 : i32
    %dma_start3A_313 = tpu.memref_slice %arg3[%dma_start3A_311, %dma_start3A_312] : memref<1000000x32xf32, #tpu.memory_space<hbm>> -> memref<1000000x32xf32, #tpu.memory_space<hbm>>
    tpu.enqueue_indirect_dma source(%dma_start3A_313 : memref<1000000x32xf32, #tpu.memory_space<hbm>>) target(%dma_start3A_307 : memref<50x32xf32, #tpu.memory_space<vmem>>) offsets(%dma_start3A_310 : memref<50xi32, #tpu.memory_space<vmem>>) semaphore(%arg9 : memref<!tpu.dma_semaphore, #tpu.memory_space<semaphore_mem>>)
    %dma_start3A_314 = arith.constant 26 : i32
    %dma_start3A_315 = arith.constant 10 : i32
    %dma_start3A_316 = arith.constant 0 : i32
    %dma_start3A_317 = arith.constant 0 : i32
    %dma_start3A_318 = tpu.memref_slice %arg7[%dma_start3A_315, %dma_start3A_316, %dma_start3A_317] : memref<16x50x32xf32, #tpu.memory_space<vmem>> -> memref<1x50x32xf32, #tpu.memory_space<vmem>>
    %dma_start3A_319 = tpu.memref_squeeze %dma_start3A_318 : memref<1x50x32xf32, #tpu.memory_space<vmem>> -> memref<50x32xf32, #tpu.memory_space<vmem>>
    %dma_start3A_320 = arith.constant 0 : i32
    %dma_start3A_321 = tpu.memref_slice %arg5[%dma_start3A_314, %dma_start3A_320] : memref<128x50xi32, #tpu.memory_space<vmem>> -> memref<1x50xi32, #tpu.memory_space<vmem>>
    %dma_start3A_322 = tpu.memref_squeeze %dma_start3A_321 : memref<1x50xi32, #tpu.memory_space<vmem>> -> memref<50xi32, #tpu.memory_space<vmem>>
    %dma_start3A_323 = arith.constant 0 : i32
    %dma_start3A_324 = arith.constant 0 : i32
    %dma_start3A_325 = tpu.memref_slice %arg3[%dma_start3A_323, %dma_start3A_324] : memref<1000000x32xf32, #tpu.memory_space<hbm>> -> memref<1000000x32xf32, #tpu.memory_space<hbm>>
    tpu.enqueue_indirect_dma source(%dma_start3A_325 : memref<1000000x32xf32, #tpu.memory_space<hbm>>) target(%dma_start3A_319 : memref<50x32xf32, #tpu.memory_space<vmem>>) offsets(%dma_start3A_322 : memref<50xi32, #tpu.memory_space<vmem>>) semaphore(%arg9 : memref<!tpu.dma_semaphore, #tpu.memory_space<semaphore_mem>>)
    %dma_start3A_326 = arith.constant 27 : i32
    %dma_start3A_327 = arith.constant 11 : i32
    %dma_start3A_328 = arith.constant 0 : i32
    %dma_start3A_329 = arith.constant 0 : i32
    %dma_start3A_330 = tpu.memref_slice %arg7[%dma_start3A_327, %dma_start3A_328, %dma_start3A_329] : memref<16x50x32xf32, #tpu.memory_space<vmem>> -> memref<1x50x32xf32, #tpu.memory_space<vmem>>
    %dma_start3A_331 = tpu.memref_squeeze %dma_start3A_330 : memref<1x50x32xf32, #tpu.memory_space<vmem>> -> memref<50x32xf32, #tpu.memory_space<vmem>>
    %dma_start3A_332 = arith.constant 0 : i32
    %dma_start3A_333 = tpu.memref_slice %arg5[%dma_start3A_326, %dma_start3A_332] : memref<128x50xi32, #tpu.memory_space<vmem>> -> memref<1x50xi32, #tpu.memory_space<vmem>>
    %dma_start3A_334 = tpu.memref_squeeze %dma_start3A_333 : memref<1x50xi32, #tpu.memory_space<vmem>> -> memref<50xi32, #tpu.memory_space<vmem>>
    %dma_start3A_335 = arith.constant 0 : i32
    %dma_start3A_336 = arith.constant 0 : i32
    %dma_start3A_337 = tpu.memref_slice %arg3[%dma_start3A_335, %dma_start3A_336] : memref<1000000x32xf32, #tpu.memory_space<hbm>> -> memref<1000000x32xf32, #tpu.memory_space<hbm>>
    tpu.enqueue_indirect_dma source(%dma_start3A_337 : memref<1000000x32xf32, #tpu.memory_space<hbm>>) target(%dma_start3A_331 : memref<50x32xf32, #tpu.memory_space<vmem>>) offsets(%dma_start3A_334 : memref<50xi32, #tpu.memory_space<vmem>>) semaphore(%arg9 : memref<!tpu.dma_semaphore, #tpu.memory_space<semaphore_mem>>)
    %dma_start3A_338 = arith.constant 28 : i32
    %dma_start3A_339 = arith.constant 12 : i32
    %dma_start3A_340 = arith.constant 0 : i32
    %dma_start3A_341 = arith.constant 0 : i32
    %dma_start3A_342 = tpu.memref_slice %arg7[%dma_start3A_339, %dma_start3A_340, %dma_start3A_341] : memref<16x50x32xf32, #tpu.memory_space<vmem>> -> memref<1x50x32xf32, #tpu.memory_space<vmem>>
    %dma_start3A_343 = tpu.memref_squeeze %dma_start3A_342 : memref<1x50x32xf32, #tpu.memory_space<vmem>> -> memref<50x32xf32, #tpu.memory_space<vmem>>
    %dma_start3A_344 = arith.constant 0 : i32
    %dma_start3A_345 = tpu.memref_slice %arg5[%dma_start3A_338, %dma_start3A_344] : memref<128x50xi32, #tpu.memory_space<vmem>> -> memref<1x50xi32, #tpu.memory_space<vmem>>
    %dma_start3A_346 = tpu.memref_squeeze %dma_start3A_345 : memref<1x50xi32, #tpu.memory_space<vmem>> -> memref<50xi32, #tpu.memory_space<vmem>>
    %dma_start3A_347 = arith.constant 0 : i32
    %dma_start3A_348 = arith.constant 0 : i32
    %dma_start3A_349 = tpu.memref_slice %arg3[%dma_start3A_347, %dma_start3A_348] : memref<1000000x32xf32, #tpu.memory_space<hbm>> -> memref<1000000x32xf32, #tpu.memory_space<hbm>>
    tpu.enqueue_indirect_dma source(%dma_start3A_349 : memref<1000000x32xf32, #tpu.memory_space<hbm>>) target(%dma_start3A_343 : memref<50x32xf32, #tpu.memory_space<vmem>>) offsets(%dma_start3A_346 : memref<50xi32, #tpu.memory_space<vmem>>) semaphore(%arg9 : memref<!tpu.dma_semaphore, #tpu.memory_space<semaphore_mem>>)
    %dma_start3A_350 = arith.constant 29 : i32
    %dma_start3A_351 = arith.constant 13 : i32
    %dma_start3A_352 = arith.constant 0 : i32
    %dma_start3A_353 = arith.constant 0 : i32
    %dma_start3A_354 = tpu.memref_slice %arg7[%dma_start3A_351, %dma_start3A_352, %dma_start3A_353] : memref<16x50x32xf32, #tpu.memory_space<vmem>> -> memref<1x50x32xf32, #tpu.memory_space<vmem>>
    %dma_start3A_355 = tpu.memref_squeeze %dma_start3A_354 : memref<1x50x32xf32, #tpu.memory_space<vmem>> -> memref<50x32xf32, #tpu.memory_space<vmem>>
    %dma_start3A_356 = arith.constant 0 : i32
    %dma_start3A_357 = tpu.memref_slice %arg5[%dma_start3A_350, %dma_start3A_356] : memref<128x50xi32, #tpu.memory_space<vmem>> -> memref<1x50xi32, #tpu.memory_space<vmem>>
    %dma_start3A_358 = tpu.memref_squeeze %dma_start3A_357 : memref<1x50xi32, #tpu.memory_space<vmem>> -> memref<50xi32, #tpu.memory_space<vmem>>
    %dma_start3A_359 = arith.constant 0 : i32
    %dma_start3A_360 = arith.constant 0 : i32
    %dma_start3A_361 = tpu.memref_slice %arg3[%dma_start3A_359, %dma_start3A_360] : memref<1000000x32xf32, #tpu.memory_space<hbm>> -> memref<1000000x32xf32, #tpu.memory_space<hbm>>
    tpu.enqueue_indirect_dma source(%dma_start3A_361 : memref<1000000x32xf32, #tpu.memory_space<hbm>>) target(%dma_start3A_355 : memref<50x32xf32, #tpu.memory_space<vmem>>) offsets(%dma_start3A_358 : memref<50xi32, #tpu.memory_space<vmem>>) semaphore(%arg9 : memref<!tpu.dma_semaphore, #tpu.memory_space<semaphore_mem>>)
    %dma_start3A_362 = arith.constant 30 : i32
    %dma_start3A_363 = arith.constant 14 : i32
    %dma_start3A_364 = arith.constant 0 : i32
    %dma_start3A_365 = arith.constant 0 : i32
    %dma_start3A_366 = tpu.memref_slice %arg7[%dma_start3A_363, %dma_start3A_364, %dma_start3A_365] : memref<16x50x32xf32, #tpu.memory_space<vmem>> -> memref<1x50x32xf32, #tpu.memory_space<vmem>>
    %dma_start3A_367 = tpu.memref_squeeze %dma_start3A_366 : memref<1x50x32xf32, #tpu.memory_space<vmem>> -> memref<50x32xf32, #tpu.memory_space<vmem>>
    %dma_start3A_368 = arith.constant 0 : i32
    %dma_start3A_369 = tpu.memref_slice %arg5[%dma_start3A_362, %dma_start3A_368] : memref<128x50xi32, #tpu.memory_space<vmem>> -> memref<1x50xi32, #tpu.memory_space<vmem>>
    %dma_start3A_370 = tpu.memref_squeeze %dma_start3A_369 : memref<1x50xi32, #tpu.memory_space<vmem>> -> memref<50xi32, #tpu.memory_space<vmem>>
    %dma_start3A_371 = arith.constant 0 : i32
    %dma_start3A_372 = arith.constant 0 : i32
    %dma_start3A_373 = tpu.memref_slice %arg3[%dma_start3A_371, %dma_start3A_372] : memref<1000000x32xf32, #tpu.memory_space<hbm>> -> memref<1000000x32xf32, #tpu.memory_space<hbm>>
    tpu.enqueue_indirect_dma source(%dma_start3A_373 : memref<1000000x32xf32, #tpu.memory_space<hbm>>) target(%dma_start3A_367 : memref<50x32xf32, #tpu.memory_space<vmem>>) offsets(%dma_start3A_370 : memref<50xi32, #tpu.memory_space<vmem>>) semaphore(%arg9 : memref<!tpu.dma_semaphore, #tpu.memory_space<semaphore_mem>>)
    %dma_start3A_374 = arith.constant 31 : i32
    %dma_start3A_375 = arith.constant 15 : i32
    %dma_start3A_376 = arith.constant 0 : i32
    %dma_start3A_377 = arith.constant 0 : i32
    %dma_start3A_378 = tpu.memref_slice %arg7[%dma_start3A_375, %dma_start3A_376, %dma_start3A_377] : memref<16x50x32xf32, #tpu.memory_space<vmem>> -> memref<1x50x32xf32, #tpu.memory_space<vmem>>
    %dma_start3A_379 = tpu.memref_squeeze %dma_start3A_378 : memref<1x50x32xf32, #tpu.memory_space<vmem>> -> memref<50x32xf32, #tpu.memory_space<vmem>>
    %dma_start3A_380 = arith.constant 0 : i32
    %dma_start3A_381 = tpu.memref_slice %arg5[%dma_start3A_374, %dma_start3A_380] : memref<128x50xi32, #tpu.memory_space<vmem>> -> memref<1x50xi32, #tpu.memory_space<vmem>>
    %dma_start3A_382 = tpu.memref_squeeze %dma_start3A_381 : memref<1x50xi32, #tpu.memory_space<vmem>> -> memref<50xi32, #tpu.memory_space<vmem>>
    %dma_start3A_383 = arith.constant 0 : i32
    %dma_start3A_384 = arith.constant 0 : i32
    %dma_start3A_385 = tpu.memref_slice %arg3[%dma_start3A_383, %dma_start3A_384] : memref<1000000x32xf32, #tpu.memory_space<hbm>> -> memref<1000000x32xf32, #tpu.memory_space<hbm>>
    tpu.enqueue_indirect_dma source(%dma_start3A_385 : memref<1000000x32xf32, #tpu.memory_space<hbm>>) target(%dma_start3A_379 : memref<50x32xf32, #tpu.memory_space<vmem>>) offsets(%dma_start3A_382 : memref<50xi32, #tpu.memory_space<vmem>>) semaphore(%arg9 : memref<!tpu.dma_semaphore, #tpu.memory_space<semaphore_mem>>)
    %scan3A = arith.constant 0 : i32
    %scan3A_386 = arith.constant 0 : i32
    %scan3A_387 = arith.constant 4 : i32
    %scan3A_388 = arith.addi %scan3A_386, %scan3A_387 : i32
    %scan3A_389 = arith.constant 1 : i32
    scf.for %scan3A_406 = %scan3A_386 to %scan3A_388 step %scan3A_389  : i32 {
      %mul3A_407 = arith.constant 2 : i32
      %mul3A_408 = arith.muli %mul3A_407, %scan3A_406 : i32
      %mul3A_409 = arith.constant 16 : i32
      %mul3A_410 = arith.muli %mul3A_408, %mul3A_409 : i32
      %add3A_411 = arith.constant 0 : i32
      %add3A_412 = arith.addi %mul3A_410, %add3A_411 : i32
      %dma_wait3A_413 = arith.constant 0 : i32
      %dma_wait3A_414 = arith.constant 0 : i32
      %dma_wait3A_415 = arith.constant 0 : i32
      %dma_wait3A_416 = tpu.memref_slice %arg6[%dma_wait3A_413, %dma_wait3A_414, %dma_wait3A_415] : memref<16x50x32xf32, #tpu.memory_space<vmem>> -> memref<1x50x32xf32, #tpu.memory_space<vmem>>
      %dma_wait3A_417 = tpu.memref_squeeze %dma_wait3A_416 : memref<1x50x32xf32, #tpu.memory_space<vmem>> -> memref<50x32xf32, #tpu.memory_space<vmem>>
      %dma_wait3A_418 = arith.constant 0 : i32
      %dma_wait3A_419 = tpu.memref_slice %arg5[%add3A_412, %dma_wait3A_418] : memref<128x50xi32, #tpu.memory_space<vmem>> -> memref<1x50xi32, #tpu.memory_space<vmem>>
      %dma_wait3A_420 = tpu.memref_squeeze %dma_wait3A_419 : memref<1x50xi32, #tpu.memory_space<vmem>> -> memref<50xi32, #tpu.memory_space<vmem>>
      %dma_wait3A_421 = arith.constant 0 : i32
      %dma_wait3A_422 = arith.constant 0 : i32
      %dma_wait3A_423 = tpu.memref_slice %arg3[%dma_wait3A_421, %dma_wait3A_422] : memref<1000000x32xf32, #tpu.memory_space<hbm>> -> memref<1000000x32xf32, #tpu.memory_space<hbm>>
      tpu.wait_indirect_dma semaphore(%arg8 : memref<!tpu.dma_semaphore, #tpu.memory_space<semaphore_mem>>) src(%dma_wait3A_423 : memref<1000000x32xf32, #tpu.memory_space<hbm>>) dst(%dma_wait3A_417 : memref<50x32xf32, #tpu.memory_space<vmem>>)
      %mul3A_424 = arith.constant 16 : i32
      %mul3A_425 = arith.muli %mul3A_408, %mul3A_424 : i32
      %add3A_426 = arith.constant 1 : i32
      %add3A_427 = arith.addi %mul3A_425, %add3A_426 : i32
      %dma_wait3A_428 = arith.constant 1 : i32
      %dma_wait3A_429 = arith.constant 0 : i32
      %dma_wait3A_430 = arith.constant 0 : i32
      %dma_wait3A_431 = tpu.memref_slice %arg6[%dma_wait3A_428, %dma_wait3A_429, %dma_wait3A_430] : memref<16x50x32xf32, #tpu.memory_space<vmem>> -> memref<1x50x32xf32, #tpu.memory_space<vmem>>
      %dma_wait3A_432 = tpu.memref_squeeze %dma_wait3A_431 : memref<1x50x32xf32, #tpu.memory_space<vmem>> -> memref<50x32xf32, #tpu.memory_space<vmem>>
      %dma_wait3A_433 = arith.constant 0 : i32
      %dma_wait3A_434 = tpu.memref_slice %arg5[%add3A_427, %dma_wait3A_433] : memref<128x50xi32, #tpu.memory_space<vmem>> -> memref<1x50xi32, #tpu.memory_space<vmem>>
      %dma_wait3A_435 = tpu.memref_squeeze %dma_wait3A_434 : memref<1x50xi32, #tpu.memory_space<vmem>> -> memref<50xi32, #tpu.memory_space<vmem>>
      %dma_wait3A_436 = arith.constant 0 : i32
      %dma_wait3A_437 = arith.constant 0 : i32
      %dma_wait3A_438 = tpu.memref_slice %arg3[%dma_wait3A_436, %dma_wait3A_437] : memref<1000000x32xf32, #tpu.memory_space<hbm>> -> memref<1000000x32xf32, #tpu.memory_space<hbm>>
      tpu.wait_indirect_dma semaphore(%arg8 : memref<!tpu.dma_semaphore, #tpu.memory_space<semaphore_mem>>) src(%dma_wait3A_438 : memref<1000000x32xf32, #tpu.memory_space<hbm>>) dst(%dma_wait3A_432 : memref<50x32xf32, #tpu.memory_space<vmem>>)
      %mul3A_439 = arith.constant 16 : i32
      %mul3A_440 = arith.muli %mul3A_408, %mul3A_439 : i32
      %add3A_441 = arith.constant 2 : i32
      %add3A_442 = arith.addi %mul3A_440, %add3A_441 : i32
      %dma_wait3A_443 = arith.constant 2 : i32
      %dma_wait3A_444 = arith.constant 0 : i32
      %dma_wait3A_445 = arith.constant 0 : i32
      %dma_wait3A_446 = tpu.memref_slice %arg6[%dma_wait3A_443, %dma_wait3A_444, %dma_wait3A_445] : memref<16x50x32xf32, #tpu.memory_space<vmem>> -> memref<1x50x32xf32, #tpu.memory_space<vmem>>
      %dma_wait3A_447 = tpu.memref_squeeze %dma_wait3A_446 : memref<1x50x32xf32, #tpu.memory_space<vmem>> -> memref<50x32xf32, #tpu.memory_space<vmem>>
      %dma_wait3A_448 = arith.constant 0 : i32
      %dma_wait3A_449 = tpu.memref_slice %arg5[%add3A_442, %dma_wait3A_448] : memref<128x50xi32, #tpu.memory_space<vmem>> -> memref<1x50xi32, #tpu.memory_space<vmem>>
      %dma_wait3A_450 = tpu.memref_squeeze %dma_wait3A_449 : memref<1x50xi32, #tpu.memory_space<vmem>> -> memref<50xi32, #tpu.memory_space<vmem>>
      %dma_wait3A_451 = arith.constant 0 : i32
      %dma_wait3A_452 = arith.constant 0 : i32
      %dma_wait3A_453 = tpu.memref_slice %arg3[%dma_wait3A_451, %dma_wait3A_452] : memref<1000000x32xf32, #tpu.memory_space<hbm>> -> memref<1000000x32xf32, #tpu.memory_space<hbm>>
      tpu.wait_indirect_dma semaphore(%arg8 : memref<!tpu.dma_semaphore, #tpu.memory_space<semaphore_mem>>) src(%dma_wait3A_453 : memref<1000000x32xf32, #tpu.memory_space<hbm>>) dst(%dma_wait3A_447 : memref<50x32xf32, #tpu.memory_space<vmem>>)
      %mul3A_454 = arith.constant 16 : i32
      %mul3A_455 = arith.muli %mul3A_408, %mul3A_454 : i32
      %add3A_456 = arith.constant 3 : i32
      %add3A_457 = arith.addi %mul3A_455, %add3A_456 : i32
      %dma_wait3A_458 = arith.constant 3 : i32
      %dma_wait3A_459 = arith.constant 0 : i32
      %dma_wait3A_460 = arith.constant 0 : i32
      %dma_wait3A_461 = tpu.memref_slice %arg6[%dma_wait3A_458, %dma_wait3A_459, %dma_wait3A_460] : memref<16x50x32xf32, #tpu.memory_space<vmem>> -> memref<1x50x32xf32, #tpu.memory_space<vmem>>
      %dma_wait3A_462 = tpu.memref_squeeze %dma_wait3A_461 : memref<1x50x32xf32, #tpu.memory_space<vmem>> -> memref<50x32xf32, #tpu.memory_space<vmem>>
      %dma_wait3A_463 = arith.constant 0 : i32
      %dma_wait3A_464 = tpu.memref_slice %arg5[%add3A_457, %dma_wait3A_463] : memref<128x50xi32, #tpu.memory_space<vmem>> -> memref<1x50xi32, #tpu.memory_space<vmem>>
      %dma_wait3A_465 = tpu.memref_squeeze %dma_wait3A_464 : memref<1x50xi32, #tpu.memory_space<vmem>> -> memref<50xi32, #tpu.memory_space<vmem>>
      %dma_wait3A_466 = arith.constant 0 : i32
      %dma_wait3A_467 = arith.constant 0 : i32
      %dma_wait3A_468 = tpu.memref_slice %arg3[%dma_wait3A_466, %dma_wait3A_467] : memref<1000000x32xf32, #tpu.memory_space<hbm>> -> memref<1000000x32xf32, #tpu.memory_space<hbm>>
      tpu.wait_indirect_dma semaphore(%arg8 : memref<!tpu.dma_semaphore, #tpu.memory_space<semaphore_mem>>) src(%dma_wait3A_468 : memref<1000000x32xf32, #tpu.memory_space<hbm>>) dst(%dma_wait3A_462 : memref<50x32xf32, #tpu.memory_space<vmem>>)
      %mul3A_469 = arith.constant 16 : i32
      %mul3A_470 = arith.muli %mul3A_408, %mul3A_469 : i32
      %add3A_471 = arith.constant 4 : i32
      %add3A_472 = arith.addi %mul3A_470, %add3A_471 : i32
      %dma_wait3A_473 = arith.constant 4 : i32
      %dma_wait3A_474 = arith.constant 0 : i32
      %dma_wait3A_475 = arith.constant 0 : i32
      %dma_wait3A_476 = tpu.memref_slice %arg6[%dma_wait3A_473, %dma_wait3A_474, %dma_wait3A_475] : memref<16x50x32xf32, #tpu.memory_space<vmem>> -> memref<1x50x32xf32, #tpu.memory_space<vmem>>
      %dma_wait3A_477 = tpu.memref_squeeze %dma_wait3A_476 : memref<1x50x32xf32, #tpu.memory_space<vmem>> -> memref<50x32xf32, #tpu.memory_space<vmem>>
      %dma_wait3A_478 = arith.constant 0 : i32
      %dma_wait3A_479 = tpu.memref_slice %arg5[%add3A_472, %dma_wait3A_478] : memref<128x50xi32, #tpu.memory_space<vmem>> -> memref<1x50xi32, #tpu.memory_space<vmem>>
      %dma_wait3A_480 = tpu.memref_squeeze %dma_wait3A_479 : memref<1x50xi32, #tpu.memory_space<vmem>> -> memref<50xi32, #tpu.memory_space<vmem>>
      %dma_wait3A_481 = arith.constant 0 : i32
      %dma_wait3A_482 = arith.constant 0 : i32
      %dma_wait3A_483 = tpu.memref_slice %arg3[%dma_wait3A_481, %dma_wait3A_482] : memref<1000000x32xf32, #tpu.memory_space<hbm>> -> memref<1000000x32xf32, #tpu.memory_space<hbm>>
      tpu.wait_indirect_dma semaphore(%arg8 : memref<!tpu.dma_semaphore, #tpu.memory_space<semaphore_mem>>) src(%dma_wait3A_483 : memref<1000000x32xf32, #tpu.memory_space<hbm>>) dst(%dma_wait3A_477 : memref<50x32xf32, #tpu.memory_space<vmem>>)
      %mul3A_484 = arith.constant 16 : i32
      %mul3A_485 = arith.muli %mul3A_408, %mul3A_484 : i32
      %add3A_486 = arith.constant 5 : i32
      %add3A_487 = arith.addi %mul3A_485, %add3A_486 : i32
      %dma_wait3A_488 = arith.constant 5 : i32
      %dma_wait3A_489 = arith.constant 0 : i32
      %dma_wait3A_490 = arith.constant 0 : i32
      %dma_wait3A_491 = tpu.memref_slice %arg6[%dma_wait3A_488, %dma_wait3A_489, %dma_wait3A_490] : memref<16x50x32xf32, #tpu.memory_space<vmem>> -> memref<1x50x32xf32, #tpu.memory_space<vmem>>
      %dma_wait3A_492 = tpu.memref_squeeze %dma_wait3A_491 : memref<1x50x32xf32, #tpu.memory_space<vmem>> -> memref<50x32xf32, #tpu.memory_space<vmem>>
      %dma_wait3A_493 = arith.constant 0 : i32
      %dma_wait3A_494 = tpu.memref_slice %arg5[%add3A_487, %dma_wait3A_493] : memref<128x50xi32, #tpu.memory_space<vmem>> -> memref<1x50xi32, #tpu.memory_space<vmem>>
      %dma_wait3A_495 = tpu.memref_squeeze %dma_wait3A_494 : memref<1x50xi32, #tpu.memory_space<vmem>> -> memref<50xi32, #tpu.memory_space<vmem>>
      %dma_wait3A_496 = arith.constant 0 : i32
      %dma_wait3A_497 = arith.constant 0 : i32
      %dma_wait3A_498 = tpu.memref_slice %arg3[%dma_wait3A_496, %dma_wait3A_497] : memref<1000000x32xf32, #tpu.memory_space<hbm>> -> memref<1000000x32xf32, #tpu.memory_space<hbm>>
      tpu.wait_indirect_dma semaphore(%arg8 : memref<!tpu.dma_semaphore, #tpu.memory_space<semaphore_mem>>) src(%dma_wait3A_498 : memref<1000000x32xf32, #tpu.memory_space<hbm>>) dst(%dma_wait3A_492 : memref<50x32xf32, #tpu.memory_space<vmem>>)
      %mul3A_499 = arith.constant 16 : i32
      %mul3A_500 = arith.muli %mul3A_408, %mul3A_499 : i32
      %add3A_501 = arith.constant 6 : i32
      %add3A_502 = arith.addi %mul3A_500, %add3A_501 : i32
      %dma_wait3A_503 = arith.constant 6 : i32
      %dma_wait3A_504 = arith.constant 0 : i32
      %dma_wait3A_505 = arith.constant 0 : i32
      %dma_wait3A_506 = tpu.memref_slice %arg6[%dma_wait3A_503, %dma_wait3A_504, %dma_wait3A_505] : memref<16x50x32xf32, #tpu.memory_space<vmem>> -> memref<1x50x32xf32, #tpu.memory_space<vmem>>
      %dma_wait3A_507 = tpu.memref_squeeze %dma_wait3A_506 : memref<1x50x32xf32, #tpu.memory_space<vmem>> -> memref<50x32xf32, #tpu.memory_space<vmem>>
      %dma_wait3A_508 = arith.constant 0 : i32
      %dma_wait3A_509 = tpu.memref_slice %arg5[%add3A_502, %dma_wait3A_508] : memref<128x50xi32, #tpu.memory_space<vmem>> -> memref<1x50xi32, #tpu.memory_space<vmem>>
      %dma_wait3A_510 = tpu.memref_squeeze %dma_wait3A_509 : memref<1x50xi32, #tpu.memory_space<vmem>> -> memref<50xi32, #tpu.memory_space<vmem>>
      %dma_wait3A_511 = arith.constant 0 : i32
      %dma_wait3A_512 = arith.constant 0 : i32
      %dma_wait3A_513 = tpu.memref_slice %arg3[%dma_wait3A_511, %dma_wait3A_512] : memref<1000000x32xf32, #tpu.memory_space<hbm>> -> memref<1000000x32xf32, #tpu.memory_space<hbm>>
      tpu.wait_indirect_dma semaphore(%arg8 : memref<!tpu.dma_semaphore, #tpu.memory_space<semaphore_mem>>) src(%dma_wait3A_513 : memref<1000000x32xf32, #tpu.memory_space<hbm>>) dst(%dma_wait3A_507 : memref<50x32xf32, #tpu.memory_space<vmem>>)
      %mul3A_514 = arith.constant 16 : i32
      %mul3A_515 = arith.muli %mul3A_408, %mul3A_514 : i32
      %add3A_516 = arith.constant 7 : i32
      %add3A_517 = arith.addi %mul3A_515, %add3A_516 : i32
      %dma_wait3A_518 = arith.constant 7 : i32
      %dma_wait3A_519 = arith.constant 0 : i32
      %dma_wait3A_520 = arith.constant 0 : i32
      %dma_wait3A_521 = tpu.memref_slice %arg6[%dma_wait3A_518, %dma_wait3A_519, %dma_wait3A_520] : memref<16x50x32xf32, #tpu.memory_space<vmem>> -> memref<1x50x32xf32, #tpu.memory_space<vmem>>
      %dma_wait3A_522 = tpu.memref_squeeze %dma_wait3A_521 : memref<1x50x32xf32, #tpu.memory_space<vmem>> -> memref<50x32xf32, #tpu.memory_space<vmem>>
      %dma_wait3A_523 = arith.constant 0 : i32
      %dma_wait3A_524 = tpu.memref_slice %arg5[%add3A_517, %dma_wait3A_523] : memref<128x50xi32, #tpu.memory_space<vmem>> -> memref<1x50xi32, #tpu.memory_space<vmem>>
      %dma_wait3A_525 = tpu.memref_squeeze %dma_wait3A_524 : memref<1x50xi32, #tpu.memory_space<vmem>> -> memref<50xi32, #tpu.memory_space<vmem>>
      %dma_wait3A_526 = arith.constant 0 : i32
      %dma_wait3A_527 = arith.constant 0 : i32
      %dma_wait3A_528 = tpu.memref_slice %arg3[%dma_wait3A_526, %dma_wait3A_527] : memref<1000000x32xf32, #tpu.memory_space<hbm>> -> memref<1000000x32xf32, #tpu.memory_space<hbm>>
      tpu.wait_indirect_dma semaphore(%arg8 : memref<!tpu.dma_semaphore, #tpu.memory_space<semaphore_mem>>) src(%dma_wait3A_528 : memref<1000000x32xf32, #tpu.memory_space<hbm>>) dst(%dma_wait3A_522 : memref<50x32xf32, #tpu.memory_space<vmem>>)
      %mul3A_529 = arith.constant 16 : i32
      %mul3A_530 = arith.muli %mul3A_408, %mul3A_529 : i32
      %add3A_531 = arith.constant 8 : i32
      %add3A_532 = arith.addi %mul3A_530, %add3A_531 : i32
      %dma_wait3A_533 = arith.constant 8 : i32
      %dma_wait3A_534 = arith.constant 0 : i32
      %dma_wait3A_535 = arith.constant 0 : i32
      %dma_wait3A_536 = tpu.memref_slice %arg6[%dma_wait3A_533, %dma_wait3A_534, %dma_wait3A_535] : memref<16x50x32xf32, #tpu.memory_space<vmem>> -> memref<1x50x32xf32, #tpu.memory_space<vmem>>
      %dma_wait3A_537 = tpu.memref_squeeze %dma_wait3A_536 : memref<1x50x32xf32, #tpu.memory_space<vmem>> -> memref<50x32xf32, #tpu.memory_space<vmem>>
      %dma_wait3A_538 = arith.constant 0 : i32
      %dma_wait3A_539 = tpu.memref_slice %arg5[%add3A_532, %dma_wait3A_538] : memref<128x50xi32, #tpu.memory_space<vmem>> -> memref<1x50xi32, #tpu.memory_space<vmem>>
      %dma_wait3A_540 = tpu.memref_squeeze %dma_wait3A_539 : memref<1x50xi32, #tpu.memory_space<vmem>> -> memref<50xi32, #tpu.memory_space<vmem>>
      %dma_wait3A_541 = arith.constant 0 : i32
      %dma_wait3A_542 = arith.constant 0 : i32
      %dma_wait3A_543 = tpu.memref_slice %arg3[%dma_wait3A_541, %dma_wait3A_542] : memref<1000000x32xf32, #tpu.memory_space<hbm>> -> memref<1000000x32xf32, #tpu.memory_space<hbm>>
      tpu.wait_indirect_dma semaphore(%arg8 : memref<!tpu.dma_semaphore, #tpu.memory_space<semaphore_mem>>) src(%dma_wait3A_543 : memref<1000000x32xf32, #tpu.memory_space<hbm>>) dst(%dma_wait3A_537 : memref<50x32xf32, #tpu.memory_space<vmem>>)
      %mul3A_544 = arith.constant 16 : i32
      %mul3A_545 = arith.muli %mul3A_408, %mul3A_544 : i32
      %add3A_546 = arith.constant 9 : i32
      %add3A_547 = arith.addi %mul3A_545, %add3A_546 : i32
      %dma_wait3A_548 = arith.constant 9 : i32
      %dma_wait3A_549 = arith.constant 0 : i32
      %dma_wait3A_550 = arith.constant 0 : i32
      %dma_wait3A_551 = tpu.memref_slice %arg6[%dma_wait3A_548, %dma_wait3A_549, %dma_wait3A_550] : memref<16x50x32xf32, #tpu.memory_space<vmem>> -> memref<1x50x32xf32, #tpu.memory_space<vmem>>
      %dma_wait3A_552 = tpu.memref_squeeze %dma_wait3A_551 : memref<1x50x32xf32, #tpu.memory_space<vmem>> -> memref<50x32xf32, #tpu.memory_space<vmem>>
      %dma_wait3A_553 = arith.constant 0 : i32
      %dma_wait3A_554 = tpu.memref_slice %arg5[%add3A_547, %dma_wait3A_553] : memref<128x50xi32, #tpu.memory_space<vmem>> -> memref<1x50xi32, #tpu.memory_space<vmem>>
      %dma_wait3A_555 = tpu.memref_squeeze %dma_wait3A_554 : memref<1x50xi32, #tpu.memory_space<vmem>> -> memref<50xi32, #tpu.memory_space<vmem>>
      %dma_wait3A_556 = arith.constant 0 : i32
      %dma_wait3A_557 = arith.constant 0 : i32
      %dma_wait3A_558 = tpu.memref_slice %arg3[%dma_wait3A_556, %dma_wait3A_557] : memref<1000000x32xf32, #tpu.memory_space<hbm>> -> memref<1000000x32xf32, #tpu.memory_space<hbm>>
      tpu.wait_indirect_dma semaphore(%arg8 : memref<!tpu.dma_semaphore, #tpu.memory_space<semaphore_mem>>) src(%dma_wait3A_558 : memref<1000000x32xf32, #tpu.memory_space<hbm>>) dst(%dma_wait3A_552 : memref<50x32xf32, #tpu.memory_space<vmem>>)
      %mul3A_559 = arith.constant 16 : i32
      %mul3A_560 = arith.muli %mul3A_408, %mul3A_559 : i32
      %add3A_561 = arith.constant 10 : i32
      %add3A_562 = arith.addi %mul3A_560, %add3A_561 : i32
      %dma_wait3A_563 = arith.constant 10 : i32
      %dma_wait3A_564 = arith.constant 0 : i32
      %dma_wait3A_565 = arith.constant 0 : i32
      %dma_wait3A_566 = tpu.memref_slice %arg6[%dma_wait3A_563, %dma_wait3A_564, %dma_wait3A_565] : memref<16x50x32xf32, #tpu.memory_space<vmem>> -> memref<1x50x32xf32, #tpu.memory_space<vmem>>
      %dma_wait3A_567 = tpu.memref_squeeze %dma_wait3A_566 : memref<1x50x32xf32, #tpu.memory_space<vmem>> -> memref<50x32xf32, #tpu.memory_space<vmem>>
      %dma_wait3A_568 = arith.constant 0 : i32
      %dma_wait3A_569 = tpu.memref_slice %arg5[%add3A_562, %dma_wait3A_568] : memref<128x50xi32, #tpu.memory_space<vmem>> -> memref<1x50xi32, #tpu.memory_space<vmem>>
      %dma_wait3A_570 = tpu.memref_squeeze %dma_wait3A_569 : memref<1x50xi32, #tpu.memory_space<vmem>> -> memref<50xi32, #tpu.memory_space<vmem>>
      %dma_wait3A_571 = arith.constant 0 : i32
      %dma_wait3A_572 = arith.constant 0 : i32
      %dma_wait3A_573 = tpu.memref_slice %arg3[%dma_wait3A_571, %dma_wait3A_572] : memref<1000000x32xf32, #tpu.memory_space<hbm>> -> memref<1000000x32xf32, #tpu.memory_space<hbm>>
      tpu.wait_indirect_dma semaphore(%arg8 : memref<!tpu.dma_semaphore, #tpu.memory_space<semaphore_mem>>) src(%dma_wait3A_573 : memref<1000000x32xf32, #tpu.memory_space<hbm>>) dst(%dma_wait3A_567 : memref<50x32xf32, #tpu.memory_space<vmem>>)
      %mul3A_574 = arith.constant 16 : i32
      %mul3A_575 = arith.muli %mul3A_408, %mul3A_574 : i32
      %add3A_576 = arith.constant 11 : i32
      %add3A_577 = arith.addi %mul3A_575, %add3A_576 : i32
      %dma_wait3A_578 = arith.constant 11 : i32
      %dma_wait3A_579 = arith.constant 0 : i32
      %dma_wait3A_580 = arith.constant 0 : i32
      %dma_wait3A_581 = tpu.memref_slice %arg6[%dma_wait3A_578, %dma_wait3A_579, %dma_wait3A_580] : memref<16x50x32xf32, #tpu.memory_space<vmem>> -> memref<1x50x32xf32, #tpu.memory_space<vmem>>
      %dma_wait3A_582 = tpu.memref_squeeze %dma_wait3A_581 : memref<1x50x32xf32, #tpu.memory_space<vmem>> -> memref<50x32xf32, #tpu.memory_space<vmem>>
      %dma_wait3A_583 = arith.constant 0 : i32
      %dma_wait3A_584 = tpu.memref_slice %arg5[%add3A_577, %dma_wait3A_583] : memref<128x50xi32, #tpu.memory_space<vmem>> -> memref<1x50xi32, #tpu.memory_space<vmem>>
      %dma_wait3A_585 = tpu.memref_squeeze %dma_wait3A_584 : memref<1x50xi32, #tpu.memory_space<vmem>> -> memref<50xi32, #tpu.memory_space<vmem>>
      %dma_wait3A_586 = arith.constant 0 : i32
      %dma_wait3A_587 = arith.constant 0 : i32
      %dma_wait3A_588 = tpu.memref_slice %arg3[%dma_wait3A_586, %dma_wait3A_587] : memref<1000000x32xf32, #tpu.memory_space<hbm>> -> memref<1000000x32xf32, #tpu.memory_space<hbm>>
      tpu.wait_indirect_dma semaphore(%arg8 : memref<!tpu.dma_semaphore, #tpu.memory_space<semaphore_mem>>) src(%dma_wait3A_588 : memref<1000000x32xf32, #tpu.memory_space<hbm>>) dst(%dma_wait3A_582 : memref<50x32xf32, #tpu.memory_space<vmem>>)
      %mul3A_589 = arith.constant 16 : i32
      %mul3A_590 = arith.muli %mul3A_408, %mul3A_589 : i32
      %add3A_591 = arith.constant 12 : i32
      %add3A_592 = arith.addi %mul3A_590, %add3A_591 : i32
      %dma_wait3A_593 = arith.constant 12 : i32
      %dma_wait3A_594 = arith.constant 0 : i32
      %dma_wait3A_595 = arith.constant 0 : i32
      %dma_wait3A_596 = tpu.memref_slice %arg6[%dma_wait3A_593, %dma_wait3A_594, %dma_wait3A_595] : memref<16x50x32xf32, #tpu.memory_space<vmem>> -> memref<1x50x32xf32, #tpu.memory_space<vmem>>
      %dma_wait3A_597 = tpu.memref_squeeze %dma_wait3A_596 : memref<1x50x32xf32, #tpu.memory_space<vmem>> -> memref<50x32xf32, #tpu.memory_space<vmem>>
      %dma_wait3A_598 = arith.constant 0 : i32
      %dma_wait3A_599 = tpu.memref_slice %arg5[%add3A_592, %dma_wait3A_598] : memref<128x50xi32, #tpu.memory_space<vmem>> -> memref<1x50xi32, #tpu.memory_space<vmem>>
      %dma_wait3A_600 = tpu.memref_squeeze %dma_wait3A_599 : memref<1x50xi32, #tpu.memory_space<vmem>> -> memref<50xi32, #tpu.memory_space<vmem>>
      %dma_wait3A_601 = arith.constant 0 : i32
      %dma_wait3A_602 = arith.constant 0 : i32
      %dma_wait3A_603 = tpu.memref_slice %arg3[%dma_wait3A_601, %dma_wait3A_602] : memref<1000000x32xf32, #tpu.memory_space<hbm>> -> memref<1000000x32xf32, #tpu.memory_space<hbm>>
      tpu.wait_indirect_dma semaphore(%arg8 : memref<!tpu.dma_semaphore, #tpu.memory_space<semaphore_mem>>) src(%dma_wait3A_603 : memref<1000000x32xf32, #tpu.memory_space<hbm>>) dst(%dma_wait3A_597 : memref<50x32xf32, #tpu.memory_space<vmem>>)
      %mul3A_604 = arith.constant 16 : i32
      %mul3A_605 = arith.muli %mul3A_408, %mul3A_604 : i32
      %add3A_606 = arith.constant 13 : i32
      %add3A_607 = arith.addi %mul3A_605, %add3A_606 : i32
      %dma_wait3A_608 = arith.constant 13 : i32
      %dma_wait3A_609 = arith.constant 0 : i32
      %dma_wait3A_610 = arith.constant 0 : i32
      %dma_wait3A_611 = tpu.memref_slice %arg6[%dma_wait3A_608, %dma_wait3A_609, %dma_wait3A_610] : memref<16x50x32xf32, #tpu.memory_space<vmem>> -> memref<1x50x32xf32, #tpu.memory_space<vmem>>
      %dma_wait3A_612 = tpu.memref_squeeze %dma_wait3A_611 : memref<1x50x32xf32, #tpu.memory_space<vmem>> -> memref<50x32xf32, #tpu.memory_space<vmem>>
      %dma_wait3A_613 = arith.constant 0 : i32
      %dma_wait3A_614 = tpu.memref_slice %arg5[%add3A_607, %dma_wait3A_613] : memref<128x50xi32, #tpu.memory_space<vmem>> -> memref<1x50xi32, #tpu.memory_space<vmem>>
      %dma_wait3A_615 = tpu.memref_squeeze %dma_wait3A_614 : memref<1x50xi32, #tpu.memory_space<vmem>> -> memref<50xi32, #tpu.memory_space<vmem>>
      %dma_wait3A_616 = arith.constant 0 : i32
      %dma_wait3A_617 = arith.constant 0 : i32
      %dma_wait3A_618 = tpu.memref_slice %arg3[%dma_wait3A_616, %dma_wait3A_617] : memref<1000000x32xf32, #tpu.memory_space<hbm>> -> memref<1000000x32xf32, #tpu.memory_space<hbm>>
      tpu.wait_indirect_dma semaphore(%arg8 : memref<!tpu.dma_semaphore, #tpu.memory_space<semaphore_mem>>) src(%dma_wait3A_618 : memref<1000000x32xf32, #tpu.memory_space<hbm>>) dst(%dma_wait3A_612 : memref<50x32xf32, #tpu.memory_space<vmem>>)
      %mul3A_619 = arith.constant 16 : i32
      %mul3A_620 = arith.muli %mul3A_408, %mul3A_619 : i32
      %add3A_621 = arith.constant 14 : i32
      %add3A_622 = arith.addi %mul3A_620, %add3A_621 : i32
      %dma_wait3A_623 = arith.constant 14 : i32
      %dma_wait3A_624 = arith.constant 0 : i32
      %dma_wait3A_625 = arith.constant 0 : i32
      %dma_wait3A_626 = tpu.memref_slice %arg6[%dma_wait3A_623, %dma_wait3A_624, %dma_wait3A_625] : memref<16x50x32xf32, #tpu.memory_space<vmem>> -> memref<1x50x32xf32, #tpu.memory_space<vmem>>
      %dma_wait3A_627 = tpu.memref_squeeze %dma_wait3A_626 : memref<1x50x32xf32, #tpu.memory_space<vmem>> -> memref<50x32xf32, #tpu.memory_space<vmem>>
      %dma_wait3A_628 = arith.constant 0 : i32
      %dma_wait3A_629 = tpu.memref_slice %arg5[%add3A_622, %dma_wait3A_628] : memref<128x50xi32, #tpu.memory_space<vmem>> -> memref<1x50xi32, #tpu.memory_space<vmem>>
      %dma_wait3A_630 = tpu.memref_squeeze %dma_wait3A_629 : memref<1x50xi32, #tpu.memory_space<vmem>> -> memref<50xi32, #tpu.memory_space<vmem>>
      %dma_wait3A_631 = arith.constant 0 : i32
      %dma_wait3A_632 = arith.constant 0 : i32
      %dma_wait3A_633 = tpu.memref_slice %arg3[%dma_wait3A_631, %dma_wait3A_632] : memref<1000000x32xf32, #tpu.memory_space<hbm>> -> memref<1000000x32xf32, #tpu.memory_space<hbm>>
      tpu.wait_indirect_dma semaphore(%arg8 : memref<!tpu.dma_semaphore, #tpu.memory_space<semaphore_mem>>) src(%dma_wait3A_633 : memref<1000000x32xf32, #tpu.memory_space<hbm>>) dst(%dma_wait3A_627 : memref<50x32xf32, #tpu.memory_space<vmem>>)
      %mul3A_634 = arith.constant 16 : i32
      %mul3A_635 = arith.muli %mul3A_408, %mul3A_634 : i32
      %add3A_636 = arith.constant 15 : i32
      %add3A_637 = arith.addi %mul3A_635, %add3A_636 : i32
      %dma_wait3A_638 = arith.constant 15 : i32
      %dma_wait3A_639 = arith.constant 0 : i32
      %dma_wait3A_640 = arith.constant 0 : i32
      %dma_wait3A_641 = tpu.memref_slice %arg6[%dma_wait3A_638, %dma_wait3A_639, %dma_wait3A_640] : memref<16x50x32xf32, #tpu.memory_space<vmem>> -> memref<1x50x32xf32, #tpu.memory_space<vmem>>
      %dma_wait3A_642 = tpu.memref_squeeze %dma_wait3A_641 : memref<1x50x32xf32, #tpu.memory_space<vmem>> -> memref<50x32xf32, #tpu.memory_space<vmem>>
      %dma_wait3A_643 = arith.constant 0 : i32
      %dma_wait3A_644 = tpu.memref_slice %arg5[%add3A_637, %dma_wait3A_643] : memref<128x50xi32, #tpu.memory_space<vmem>> -> memref<1x50xi32, #tpu.memory_space<vmem>>
      %dma_wait3A_645 = tpu.memref_squeeze %dma_wait3A_644 : memref<1x50xi32, #tpu.memory_space<vmem>> -> memref<50xi32, #tpu.memory_space<vmem>>
      %dma_wait3A_646 = arith.constant 0 : i32
      %dma_wait3A_647 = arith.constant 0 : i32
      %dma_wait3A_648 = tpu.memref_slice %arg3[%dma_wait3A_646, %dma_wait3A_647] : memref<1000000x32xf32, #tpu.memory_space<hbm>> -> memref<1000000x32xf32, #tpu.memory_space<hbm>>
      tpu.wait_indirect_dma semaphore(%arg8 : memref<!tpu.dma_semaphore, #tpu.memory_space<semaphore_mem>>) src(%dma_wait3A_648 : memref<1000000x32xf32, #tpu.memory_space<hbm>>) dst(%dma_wait3A_642 : memref<50x32xf32, #tpu.memory_space<vmem>>)
      %mul3A_649 = arith.constant 16 : i32
      %mul3A_650 = arith.muli %mul3A_408, %mul3A_649 : i32
      %add3A_651 = arith.addi %mul3A_2, %mul3A_650 : i32
      %dma_start3A_652 = arith.constant 0 : i32
      %dma_start3A_653 = arith.constant 0 : i32
      %dma_start3A_654 = tpu.memref_slice %arg4[%add3A_651, %dma_start3A_652, %dma_start3A_653] : memref<4096x50x32xf32, #tpu.memory_space<hbm>> -> memref<16x50x32xf32, #tpu.memory_space<hbm>>
      %dma_start3A_655 = arith.constant 0 : i32
      %dma_start3A_656 = arith.constant 0 : i32
      %dma_start3A_657 = tpu.memref_slice %arg4[%add3A_651, %dma_start3A_655, %dma_start3A_656] : memref<4096x50x32xf32, #tpu.memory_space<hbm>> -> memref<16x50x32xf32, #tpu.memory_space<hbm>>
      tpu.enqueue_dma source(%arg6 : memref<16x50x32xf32, #tpu.memory_space<vmem>>) target(%dma_start3A_657 : memref<16x50x32xf32, #tpu.memory_space<hbm>>) target_semaphore(%arg10 : memref<!tpu.dma_semaphore, #tpu.memory_space<semaphore_mem>>)
      %add3A_658 = arith.constant 2 : i32
      %add3A_659 = arith.addi %mul3A_408, %add3A_658 : i32
      %lt3A = arith.constant 8 : i32
      %lt3A_660 = arith.cmpi slt, %add3A_659, %lt3A : i32
      %convert_element_type3A = arith.extui %lt3A_660 : i1 to i32
      %cond3A = arith.constant 0 : i32
      %cond3A_661 = arith.cmpi ne, %convert_element_type3A, %cond3A : i32
      scf.if %cond3A_661 {
        %mul3A_922 = arith.constant 16 : i32
        %mul3A_923 = arith.muli %mul3A_408, %mul3A_922 : i32
        %add3A_924 = arith.addi %mul3A_2, %mul3A_923 : i32
        %dma_wait3A_925 = arith.constant 0 : i32
        %dma_wait3A_926 = arith.constant 0 : i32
        %dma_wait3A_927 = tpu.memref_slice %arg4[%add3A_924, %dma_wait3A_925, %dma_wait3A_926] : memref<4096x50x32xf32, #tpu.memory_space<hbm>> -> memref<16x50x32xf32, #tpu.memory_space<hbm>>
        %dma_wait3A_928 = arith.constant 0 : i32
        %dma_wait3A_929 = arith.constant 0 : i32
        %dma_wait3A_930 = tpu.memref_slice %arg4[%add3A_924, %dma_wait3A_928, %dma_wait3A_929] : memref<4096x50x32xf32, #tpu.memory_space<hbm>> -> memref<16x50x32xf32, #tpu.memory_space<hbm>>
        tpu.wait_dma2 semaphore(%arg10 : memref<!tpu.dma_semaphore, #tpu.memory_space<semaphore_mem>>) src(%arg6 : memref<16x50x32xf32, #tpu.memory_space<vmem>>) dst(%dma_wait3A_930 : memref<16x50x32xf32, #tpu.memory_space<hbm>>)
        %add3A_931 = arith.constant 2 : i32
        %add3A_932 = arith.addi %mul3A_408, %add3A_931 : i32
        %mul3A_933 = arith.constant 16 : i32
        %mul3A_934 = arith.muli %add3A_932, %mul3A_933 : i32
        %add3A_935 = arith.constant 0 : i32
        %add3A_936 = arith.addi %mul3A_934, %add3A_935 : i32
        %dma_start3A_937 = arith.constant 0 : i32
        %dma_start3A_938 = arith.constant 0 : i32
        %dma_start3A_939 = arith.constant 0 : i32
        %dma_start3A_940 = tpu.memref_slice %arg6[%dma_start3A_937, %dma_start3A_938, %dma_start3A_939] : memref<16x50x32xf32, #tpu.memory_space<vmem>> -> memref<1x50x32xf32, #tpu.memory_space<vmem>>
        %dma_start3A_941 = tpu.memref_squeeze %dma_start3A_940 : memref<1x50x32xf32, #tpu.memory_space<vmem>> -> memref<50x32xf32, #tpu.memory_space<vmem>>
        %dma_start3A_942 = arith.constant 0 : i32
        %dma_start3A_943 = tpu.memref_slice %arg5[%add3A_936, %dma_start3A_942] : memref<128x50xi32, #tpu.memory_space<vmem>> -> memref<1x50xi32, #tpu.memory_space<vmem>>
        %dma_start3A_944 = tpu.memref_squeeze %dma_start3A_943 : memref<1x50xi32, #tpu.memory_space<vmem>> -> memref<50xi32, #tpu.memory_space<vmem>>
        %dma_start3A_945 = arith.constant 0 : i32
        %dma_start3A_946 = arith.constant 0 : i32
        %dma_start3A_947 = tpu.memref_slice %arg3[%dma_start3A_945, %dma_start3A_946] : memref<1000000x32xf32, #tpu.memory_space<hbm>> -> memref<1000000x32xf32, #tpu.memory_space<hbm>>
        tpu.enqueue_indirect_dma source(%dma_start3A_947 : memref<1000000x32xf32, #tpu.memory_space<hbm>>) target(%dma_start3A_941 : memref<50x32xf32, #tpu.memory_space<vmem>>) offsets(%dma_start3A_944 : memref<50xi32, #tpu.memory_space<vmem>>) semaphore(%arg8 : memref<!tpu.dma_semaphore, #tpu.memory_space<semaphore_mem>>)
        %mul3A_948 = arith.constant 16 : i32
        %mul3A_949 = arith.muli %add3A_932, %mul3A_948 : i32
        %add3A_950 = arith.constant 1 : i32
        %add3A_951 = arith.addi %mul3A_949, %add3A_950 : i32
        %dma_start3A_952 = arith.constant 1 : i32
        %dma_start3A_953 = arith.constant 0 : i32
        %dma_start3A_954 = arith.constant 0 : i32
        %dma_start3A_955 = tpu.memref_slice %arg6[%dma_start3A_952, %dma_start3A_953, %dma_start3A_954] : memref<16x50x32xf32, #tpu.memory_space<vmem>> -> memref<1x50x32xf32, #tpu.memory_space<vmem>>
        %dma_start3A_956 = tpu.memref_squeeze %dma_start3A_955 : memref<1x50x32xf32, #tpu.memory_space<vmem>> -> memref<50x32xf32, #tpu.memory_space<vmem>>
        %dma_start3A_957 = arith.constant 0 : i32
        %dma_start3A_958 = tpu.memref_slice %arg5[%add3A_951, %dma_start3A_957] : memref<128x50xi32, #tpu.memory_space<vmem>> -> memref<1x50xi32, #tpu.memory_space<vmem>>
        %dma_start3A_959 = tpu.memref_squeeze %dma_start3A_958 : memref<1x50xi32, #tpu.memory_space<vmem>> -> memref<50xi32, #tpu.memory_space<vmem>>
        %dma_start3A_960 = arith.constant 0 : i32
        %dma_start3A_961 = arith.constant 0 : i32
        %dma_start3A_962 = tpu.memref_slice %arg3[%dma_start3A_960, %dma_start3A_961] : memref<1000000x32xf32, #tpu.memory_space<hbm>> -> memref<1000000x32xf32, #tpu.memory_space<hbm>>
        tpu.enqueue_indirect_dma source(%dma_start3A_962 : memref<1000000x32xf32, #tpu.memory_space<hbm>>) target(%dma_start3A_956 : memref<50x32xf32, #tpu.memory_space<vmem>>) offsets(%dma_start3A_959 : memref<50xi32, #tpu.memory_space<vmem>>) semaphore(%arg8 : memref<!tpu.dma_semaphore, #tpu.memory_space<semaphore_mem>>)
        %mul3A_963 = arith.constant 16 : i32
        %mul3A_964 = arith.muli %add3A_932, %mul3A_963 : i32
        %add3A_965 = arith.constant 2 : i32
        %add3A_966 = arith.addi %mul3A_964, %add3A_965 : i32
        %dma_start3A_967 = arith.constant 2 : i32
        %dma_start3A_968 = arith.constant 0 : i32
        %dma_start3A_969 = arith.constant 0 : i32
        %dma_start3A_970 = tpu.memref_slice %arg6[%dma_start3A_967, %dma_start3A_968, %dma_start3A_969] : memref<16x50x32xf32, #tpu.memory_space<vmem>> -> memref<1x50x32xf32, #tpu.memory_space<vmem>>
        %dma_start3A_971 = tpu.memref_squeeze %dma_start3A_970 : memref<1x50x32xf32, #tpu.memory_space<vmem>> -> memref<50x32xf32, #tpu.memory_space<vmem>>
        %dma_start3A_972 = arith.constant 0 : i32
        %dma_start3A_973 = tpu.memref_slice %arg5[%add3A_966, %dma_start3A_972] : memref<128x50xi32, #tpu.memory_space<vmem>> -> memref<1x50xi32, #tpu.memory_space<vmem>>
        %dma_start3A_974 = tpu.memref_squeeze %dma_start3A_973 : memref<1x50xi32, #tpu.memory_space<vmem>> -> memref<50xi32, #tpu.memory_space<vmem>>
        %dma_start3A_975 = arith.constant 0 : i32
        %dma_start3A_976 = arith.constant 0 : i32
        %dma_start3A_977 = tpu.memref_slice %arg3[%dma_start3A_975, %dma_start3A_976] : memref<1000000x32xf32, #tpu.memory_space<hbm>> -> memref<1000000x32xf32, #tpu.memory_space<hbm>>
        tpu.enqueue_indirect_dma source(%dma_start3A_977 : memref<1000000x32xf32, #tpu.memory_space<hbm>>) target(%dma_start3A_971 : memref<50x32xf32, #tpu.memory_space<vmem>>) offsets(%dma_start3A_974 : memref<50xi32, #tpu.memory_space<vmem>>) semaphore(%arg8 : memref<!tpu.dma_semaphore, #tpu.memory_space<semaphore_mem>>)
        %mul3A_978 = arith.constant 16 : i32
        %mul3A_979 = arith.muli %add3A_932, %mul3A_978 : i32
        %add3A_980 = arith.constant 3 : i32
        %add3A_981 = arith.addi %mul3A_979, %add3A_980 : i32
        %dma_start3A_982 = arith.constant 3 : i32
        %dma_start3A_983 = arith.constant 0 : i32
        %dma_start3A_984 = arith.constant 0 : i32
        %dma_start3A_985 = tpu.memref_slice %arg6[%dma_start3A_982, %dma_start3A_983, %dma_start3A_984] : memref<16x50x32xf32, #tpu.memory_space<vmem>> -> memref<1x50x32xf32, #tpu.memory_space<vmem>>
        %dma_start3A_986 = tpu.memref_squeeze %dma_start3A_985 : memref<1x50x32xf32, #tpu.memory_space<vmem>> -> memref<50x32xf32, #tpu.memory_space<vmem>>
        %dma_start3A_987 = arith.constant 0 : i32
        %dma_start3A_988 = tpu.memref_slice %arg5[%add3A_981, %dma_start3A_987] : memref<128x50xi32, #tpu.memory_space<vmem>> -> memref<1x50xi32, #tpu.memory_space<vmem>>
        %dma_start3A_989 = tpu.memref_squeeze %dma_start3A_988 : memref<1x50xi32, #tpu.memory_space<vmem>> -> memref<50xi32, #tpu.memory_space<vmem>>
        %dma_start3A_990 = arith.constant 0 : i32
        %dma_start3A_991 = arith.constant 0 : i32
        %dma_start3A_992 = tpu.memref_slice %arg3[%dma_start3A_990, %dma_start3A_991] : memref<1000000x32xf32, #tpu.memory_space<hbm>> -> memref<1000000x32xf32, #tpu.memory_space<hbm>>
        tpu.enqueue_indirect_dma source(%dma_start3A_992 : memref<1000000x32xf32, #tpu.memory_space<hbm>>) target(%dma_start3A_986 : memref<50x32xf32, #tpu.memory_space<vmem>>) offsets(%dma_start3A_989 : memref<50xi32, #tpu.memory_space<vmem>>) semaphore(%arg8 : memref<!tpu.dma_semaphore, #tpu.memory_space<semaphore_mem>>)
        %mul3A_993 = arith.constant 16 : i32
        %mul3A_994 = arith.muli %add3A_932, %mul3A_993 : i32
        %add3A_995 = arith.constant 4 : i32
        %add3A_996 = arith.addi %mul3A_994, %add3A_995 : i32
        %dma_start3A_997 = arith.constant 4 : i32
        %dma_start3A_998 = arith.constant 0 : i32
        %dma_start3A_999 = arith.constant 0 : i32
        %dma_start3A_1000 = tpu.memref_slice %arg6[%dma_start3A_997, %dma_start3A_998, %dma_start3A_999] : memref<16x50x32xf32, #tpu.memory_space<vmem>> -> memref<1x50x32xf32, #tpu.memory_space<vmem>>
        %dma_start3A_1001 = tpu.memref_squeeze %dma_start3A_1000 : memref<1x50x32xf32, #tpu.memory_space<vmem>> -> memref<50x32xf32, #tpu.memory_space<vmem>>
        %dma_start3A_1002 = arith.constant 0 : i32
        %dma_start3A_1003 = tpu.memref_slice %arg5[%add3A_996, %dma_start3A_1002] : memref<128x50xi32, #tpu.memory_space<vmem>> -> memref<1x50xi32, #tpu.memory_space<vmem>>
        %dma_start3A_1004 = tpu.memref_squeeze %dma_start3A_1003 : memref<1x50xi32, #tpu.memory_space<vmem>> -> memref<50xi32, #tpu.memory_space<vmem>>
        %dma_start3A_1005 = arith.constant 0 : i32
        %dma_start3A_1006 = arith.constant 0 : i32
        %dma_start3A_1007 = tpu.memref_slice %arg3[%dma_start3A_1005, %dma_start3A_1006] : memref<1000000x32xf32, #tpu.memory_space<hbm>> -> memref<1000000x32xf32, #tpu.memory_space<hbm>>
        tpu.enqueue_indirect_dma source(%dma_start3A_1007 : memref<1000000x32xf32, #tpu.memory_space<hbm>>) target(%dma_start3A_1001 : memref<50x32xf32, #tpu.memory_space<vmem>>) offsets(%dma_start3A_1004 : memref<50xi32, #tpu.memory_space<vmem>>) semaphore(%arg8 : memref<!tpu.dma_semaphore, #tpu.memory_space<semaphore_mem>>)
        %mul3A_1008 = arith.constant 16 : i32
        %mul3A_1009 = arith.muli %add3A_932, %mul3A_1008 : i32
        %add3A_1010 = arith.constant 5 : i32
        %add3A_1011 = arith.addi %mul3A_1009, %add3A_1010 : i32
        %dma_start3A_1012 = arith.constant 5 : i32
        %dma_start3A_1013 = arith.constant 0 : i32
        %dma_start3A_1014 = arith.constant 0 : i32
        %dma_start3A_1015 = tpu.memref_slice %arg6[%dma_start3A_1012, %dma_start3A_1013, %dma_start3A_1014] : memref<16x50x32xf32, #tpu.memory_space<vmem>> -> memref<1x50x32xf32, #tpu.memory_space<vmem>>
        %dma_start3A_1016 = tpu.memref_squeeze %dma_start3A_1015 : memref<1x50x32xf32, #tpu.memory_space<vmem>> -> memref<50x32xf32, #tpu.memory_space<vmem>>
        %dma_start3A_1017 = arith.constant 0 : i32
        %dma_start3A_1018 = tpu.memref_slice %arg5[%add3A_1011, %dma_start3A_1017] : memref<128x50xi32, #tpu.memory_space<vmem>> -> memref<1x50xi32, #tpu.memory_space<vmem>>
        %dma_start3A_1019 = tpu.memref_squeeze %dma_start3A_1018 : memref<1x50xi32, #tpu.memory_space<vmem>> -> memref<50xi32, #tpu.memory_space<vmem>>
        %dma_start3A_1020 = arith.constant 0 : i32
        %dma_start3A_1021 = arith.constant 0 : i32
        %dma_start3A_1022 = tpu.memref_slice %arg3[%dma_start3A_1020, %dma_start3A_1021] : memref<1000000x32xf32, #tpu.memory_space<hbm>> -> memref<1000000x32xf32, #tpu.memory_space<hbm>>
        tpu.enqueue_indirect_dma source(%dma_start3A_1022 : memref<1000000x32xf32, #tpu.memory_space<hbm>>) target(%dma_start3A_1016 : memref<50x32xf32, #tpu.memory_space<vmem>>) offsets(%dma_start3A_1019 : memref<50xi32, #tpu.memory_space<vmem>>) semaphore(%arg8 : memref<!tpu.dma_semaphore, #tpu.memory_space<semaphore_mem>>)
        %mul3A_1023 = arith.constant 16 : i32
        %mul3A_1024 = arith.muli %add3A_932, %mul3A_1023 : i32
        %add3A_1025 = arith.constant 6 : i32
        %add3A_1026 = arith.addi %mul3A_1024, %add3A_1025 : i32
        %dma_start3A_1027 = arith.constant 6 : i32
        %dma_start3A_1028 = arith.constant 0 : i32
        %dma_start3A_1029 = arith.constant 0 : i32
        %dma_start3A_1030 = tpu.memref_slice %arg6[%dma_start3A_1027, %dma_start3A_1028, %dma_start3A_1029] : memref<16x50x32xf32, #tpu.memory_space<vmem>> -> memref<1x50x32xf32, #tpu.memory_space<vmem>>
        %dma_start3A_1031 = tpu.memref_squeeze %dma_start3A_1030 : memref<1x50x32xf32, #tpu.memory_space<vmem>> -> memref<50x32xf32, #tpu.memory_space<vmem>>
        %dma_start3A_1032 = arith.constant 0 : i32
        %dma_start3A_1033 = tpu.memref_slice %arg5[%add3A_1026, %dma_start3A_1032] : memref<128x50xi32, #tpu.memory_space<vmem>> -> memref<1x50xi32, #tpu.memory_space<vmem>>
        %dma_start3A_1034 = tpu.memref_squeeze %dma_start3A_1033 : memref<1x50xi32, #tpu.memory_space<vmem>> -> memref<50xi32, #tpu.memory_space<vmem>>
        %dma_start3A_1035 = arith.constant 0 : i32
        %dma_start3A_1036 = arith.constant 0 : i32
        %dma_start3A_1037 = tpu.memref_slice %arg3[%dma_start3A_1035, %dma_start3A_1036] : memref<1000000x32xf32, #tpu.memory_space<hbm>> -> memref<1000000x32xf32, #tpu.memory_space<hbm>>
        tpu.enqueue_indirect_dma source(%dma_start3A_1037 : memref<1000000x32xf32, #tpu.memory_space<hbm>>) target(%dma_start3A_1031 : memref<50x32xf32, #tpu.memory_space<vmem>>) offsets(%dma_start3A_1034 : memref<50xi32, #tpu.memory_space<vmem>>) semaphore(%arg8 : memref<!tpu.dma_semaphore, #tpu.memory_space<semaphore_mem>>)
        %mul3A_1038 = arith.constant 16 : i32
        %mul3A_1039 = arith.muli %add3A_932, %mul3A_1038 : i32
        %add3A_1040 = arith.constant 7 : i32
        %add3A_1041 = arith.addi %mul3A_1039, %add3A_1040 : i32
        %dma_start3A_1042 = arith.constant 7 : i32
        %dma_start3A_1043 = arith.constant 0 : i32
        %dma_start3A_1044 = arith.constant 0 : i32
        %dma_start3A_1045 = tpu.memref_slice %arg6[%dma_start3A_1042, %dma_start3A_1043, %dma_start3A_1044] : memref<16x50x32xf32, #tpu.memory_space<vmem>> -> memref<1x50x32xf32, #tpu.memory_space<vmem>>
        %dma_start3A_1046 = tpu.memref_squeeze %dma_start3A_1045 : memref<1x50x32xf32, #tpu.memory_space<vmem>> -> memref<50x32xf32, #tpu.memory_space<vmem>>
        %dma_start3A_1047 = arith.constant 0 : i32
        %dma_start3A_1048 = tpu.memref_slice %arg5[%add3A_1041, %dma_start3A_1047] : memref<128x50xi32, #tpu.memory_space<vmem>> -> memref<1x50xi32, #tpu.memory_space<vmem>>
        %dma_start3A_1049 = tpu.memref_squeeze %dma_start3A_1048 : memref<1x50xi32, #tpu.memory_space<vmem>> -> memref<50xi32, #tpu.memory_space<vmem>>
        %dma_start3A_1050 = arith.constant 0 : i32
        %dma_start3A_1051 = arith.constant 0 : i32
        %dma_start3A_1052 = tpu.memref_slice %arg3[%dma_start3A_1050, %dma_start3A_1051] : memref<1000000x32xf32, #tpu.memory_space<hbm>> -> memref<1000000x32xf32, #tpu.memory_space<hbm>>
        tpu.enqueue_indirect_dma source(%dma_start3A_1052 : memref<1000000x32xf32, #tpu.memory_space<hbm>>) target(%dma_start3A_1046 : memref<50x32xf32, #tpu.memory_space<vmem>>) offsets(%dma_start3A_1049 : memref<50xi32, #tpu.memory_space<vmem>>) semaphore(%arg8 : memref<!tpu.dma_semaphore, #tpu.memory_space<semaphore_mem>>)
        %mul3A_1053 = arith.constant 16 : i32
        %mul3A_1054 = arith.muli %add3A_932, %mul3A_1053 : i32
        %add3A_1055 = arith.constant 8 : i32
        %add3A_1056 = arith.addi %mul3A_1054, %add3A_1055 : i32
        %dma_start3A_1057 = arith.constant 8 : i32
        %dma_start3A_1058 = arith.constant 0 : i32
        %dma_start3A_1059 = arith.constant 0 : i32
        %dma_start3A_1060 = tpu.memref_slice %arg6[%dma_start3A_1057, %dma_start3A_1058, %dma_start3A_1059] : memref<16x50x32xf32, #tpu.memory_space<vmem>> -> memref<1x50x32xf32, #tpu.memory_space<vmem>>
        %dma_start3A_1061 = tpu.memref_squeeze %dma_start3A_1060 : memref<1x50x32xf32, #tpu.memory_space<vmem>> -> memref<50x32xf32, #tpu.memory_space<vmem>>
        %dma_start3A_1062 = arith.constant 0 : i32
        %dma_start3A_1063 = tpu.memref_slice %arg5[%add3A_1056, %dma_start3A_1062] : memref<128x50xi32, #tpu.memory_space<vmem>> -> memref<1x50xi32, #tpu.memory_space<vmem>>
        %dma_start3A_1064 = tpu.memref_squeeze %dma_start3A_1063 : memref<1x50xi32, #tpu.memory_space<vmem>> -> memref<50xi32, #tpu.memory_space<vmem>>
        %dma_start3A_1065 = arith.constant 0 : i32
        %dma_start3A_1066 = arith.constant 0 : i32
        %dma_start3A_1067 = tpu.memref_slice %arg3[%dma_start3A_1065, %dma_start3A_1066] : memref<1000000x32xf32, #tpu.memory_space<hbm>> -> memref<1000000x32xf32, #tpu.memory_space<hbm>>
        tpu.enqueue_indirect_dma source(%dma_start3A_1067 : memref<1000000x32xf32, #tpu.memory_space<hbm>>) target(%dma_start3A_1061 : memref<50x32xf32, #tpu.memory_space<vmem>>) offsets(%dma_start3A_1064 : memref<50xi32, #tpu.memory_space<vmem>>) semaphore(%arg8 : memref<!tpu.dma_semaphore, #tpu.memory_space<semaphore_mem>>)
        %mul3A_1068 = arith.constant 16 : i32
        %mul3A_1069 = arith.muli %add3A_932, %mul3A_1068 : i32
        %add3A_1070 = arith.constant 9 : i32
        %add3A_1071 = arith.addi %mul3A_1069, %add3A_1070 : i32
        %dma_start3A_1072 = arith.constant 9 : i32
        %dma_start3A_1073 = arith.constant 0 : i32
        %dma_start3A_1074 = arith.constant 0 : i32
        %dma_start3A_1075 = tpu.memref_slice %arg6[%dma_start3A_1072, %dma_start3A_1073, %dma_start3A_1074] : memref<16x50x32xf32, #tpu.memory_space<vmem>> -> memref<1x50x32xf32, #tpu.memory_space<vmem>>
        %dma_start3A_1076 = tpu.memref_squeeze %dma_start3A_1075 : memref<1x50x32xf32, #tpu.memory_space<vmem>> -> memref<50x32xf32, #tpu.memory_space<vmem>>
        %dma_start3A_1077 = arith.constant 0 : i32
        %dma_start3A_1078 = tpu.memref_slice %arg5[%add3A_1071, %dma_start3A_1077] : memref<128x50xi32, #tpu.memory_space<vmem>> -> memref<1x50xi32, #tpu.memory_space<vmem>>
        %dma_start3A_1079 = tpu.memref_squeeze %dma_start3A_1078 : memref<1x50xi32, #tpu.memory_space<vmem>> -> memref<50xi32, #tpu.memory_space<vmem>>
        %dma_start3A_1080 = arith.constant 0 : i32
        %dma_start3A_1081 = arith.constant 0 : i32
        %dma_start3A_1082 = tpu.memref_slice %arg3[%dma_start3A_1080, %dma_start3A_1081] : memref<1000000x32xf32, #tpu.memory_space<hbm>> -> memref<1000000x32xf32, #tpu.memory_space<hbm>>
        tpu.enqueue_indirect_dma source(%dma_start3A_1082 : memref<1000000x32xf32, #tpu.memory_space<hbm>>) target(%dma_start3A_1076 : memref<50x32xf32, #tpu.memory_space<vmem>>) offsets(%dma_start3A_1079 : memref<50xi32, #tpu.memory_space<vmem>>) semaphore(%arg8 : memref<!tpu.dma_semaphore, #tpu.memory_space<semaphore_mem>>)
        %mul3A_1083 = arith.constant 16 : i32
        %mul3A_1084 = arith.muli %add3A_932, %mul3A_1083 : i32
        %add3A_1085 = arith.constant 10 : i32
        %add3A_1086 = arith.addi %mul3A_1084, %add3A_1085 : i32
        %dma_start3A_1087 = arith.constant 10 : i32
        %dma_start3A_1088 = arith.constant 0 : i32
        %dma_start3A_1089 = arith.constant 0 : i32
        %dma_start3A_1090 = tpu.memref_slice %arg6[%dma_start3A_1087, %dma_start3A_1088, %dma_start3A_1089] : memref<16x50x32xf32, #tpu.memory_space<vmem>> -> memref<1x50x32xf32, #tpu.memory_space<vmem>>
        %dma_start3A_1091 = tpu.memref_squeeze %dma_start3A_1090 : memref<1x50x32xf32, #tpu.memory_space<vmem>> -> memref<50x32xf32, #tpu.memory_space<vmem>>
        %dma_start3A_1092 = arith.constant 0 : i32
        %dma_start3A_1093 = tpu.memref_slice %arg5[%add3A_1086, %dma_start3A_1092] : memref<128x50xi32, #tpu.memory_space<vmem>> -> memref<1x50xi32, #tpu.memory_space<vmem>>
        %dma_start3A_1094 = tpu.memref_squeeze %dma_start3A_1093 : memref<1x50xi32, #tpu.memory_space<vmem>> -> memref<50xi32, #tpu.memory_space<vmem>>
        %dma_start3A_1095 = arith.constant 0 : i32
        %dma_start3A_1096 = arith.constant 0 : i32
        %dma_start3A_1097 = tpu.memref_slice %arg3[%dma_start3A_1095, %dma_start3A_1096] : memref<1000000x32xf32, #tpu.memory_space<hbm>> -> memref<1000000x32xf32, #tpu.memory_space<hbm>>
        tpu.enqueue_indirect_dma source(%dma_start3A_1097 : memref<1000000x32xf32, #tpu.memory_space<hbm>>) target(%dma_start3A_1091 : memref<50x32xf32, #tpu.memory_space<vmem>>) offsets(%dma_start3A_1094 : memref<50xi32, #tpu.memory_space<vmem>>) semaphore(%arg8 : memref<!tpu.dma_semaphore, #tpu.memory_space<semaphore_mem>>)
        %mul3A_1098 = arith.constant 16 : i32
        %mul3A_1099 = arith.muli %add3A_932, %mul3A_1098 : i32
        %add3A_1100 = arith.constant 11 : i32
        %add3A_1101 = arith.addi %mul3A_1099, %add3A_1100 : i32
        %dma_start3A_1102 = arith.constant 11 : i32
        %dma_start3A_1103 = arith.constant 0 : i32
        %dma_start3A_1104 = arith.constant 0 : i32
        %dma_start3A_1105 = tpu.memref_slice %arg6[%dma_start3A_1102, %dma_start3A_1103, %dma_start3A_1104] : memref<16x50x32xf32, #tpu.memory_space<vmem>> -> memref<1x50x32xf32, #tpu.memory_space<vmem>>
        %dma_start3A_1106 = tpu.memref_squeeze %dma_start3A_1105 : memref<1x50x32xf32, #tpu.memory_space<vmem>> -> memref<50x32xf32, #tpu.memory_space<vmem>>
        %dma_start3A_1107 = arith.constant 0 : i32
        %dma_start3A_1108 = tpu.memref_slice %arg5[%add3A_1101, %dma_start3A_1107] : memref<128x50xi32, #tpu.memory_space<vmem>> -> memref<1x50xi32, #tpu.memory_space<vmem>>
        %dma_start3A_1109 = tpu.memref_squeeze %dma_start3A_1108 : memref<1x50xi32, #tpu.memory_space<vmem>> -> memref<50xi32, #tpu.memory_space<vmem>>
        %dma_start3A_1110 = arith.constant 0 : i32
        %dma_start3A_1111 = arith.constant 0 : i32
        %dma_start3A_1112 = tpu.memref_slice %arg3[%dma_start3A_1110, %dma_start3A_1111] : memref<1000000x32xf32, #tpu.memory_space<hbm>> -> memref<1000000x32xf32, #tpu.memory_space<hbm>>
        tpu.enqueue_indirect_dma source(%dma_start3A_1112 : memref<1000000x32xf32, #tpu.memory_space<hbm>>) target(%dma_start3A_1106 : memref<50x32xf32, #tpu.memory_space<vmem>>) offsets(%dma_start3A_1109 : memref<50xi32, #tpu.memory_space<vmem>>) semaphore(%arg8 : memref<!tpu.dma_semaphore, #tpu.memory_space<semaphore_mem>>)
        %mul3A_1113 = arith.constant 16 : i32
        %mul3A_1114 = arith.muli %add3A_932, %mul3A_1113 : i32
        %add3A_1115 = arith.constant 12 : i32
        %add3A_1116 = arith.addi %mul3A_1114, %add3A_1115 : i32
        %dma_start3A_1117 = arith.constant 12 : i32
        %dma_start3A_1118 = arith.constant 0 : i32
        %dma_start3A_1119 = arith.constant 0 : i32
        %dma_start3A_1120 = tpu.memref_slice %arg6[%dma_start3A_1117, %dma_start3A_1118, %dma_start3A_1119] : memref<16x50x32xf32, #tpu.memory_space<vmem>> -> memref<1x50x32xf32, #tpu.memory_space<vmem>>
        %dma_start3A_1121 = tpu.memref_squeeze %dma_start3A_1120 : memref<1x50x32xf32, #tpu.memory_space<vmem>> -> memref<50x32xf32, #tpu.memory_space<vmem>>
        %dma_start3A_1122 = arith.constant 0 : i32
        %dma_start3A_1123 = tpu.memref_slice %arg5[%add3A_1116, %dma_start3A_1122] : memref<128x50xi32, #tpu.memory_space<vmem>> -> memref<1x50xi32, #tpu.memory_space<vmem>>
        %dma_start3A_1124 = tpu.memref_squeeze %dma_start3A_1123 : memref<1x50xi32, #tpu.memory_space<vmem>> -> memref<50xi32, #tpu.memory_space<vmem>>
        %dma_start3A_1125 = arith.constant 0 : i32
        %dma_start3A_1126 = arith.constant 0 : i32
        %dma_start3A_1127 = tpu.memref_slice %arg3[%dma_start3A_1125, %dma_start3A_1126] : memref<1000000x32xf32, #tpu.memory_space<hbm>> -> memref<1000000x32xf32, #tpu.memory_space<hbm>>
        tpu.enqueue_indirect_dma source(%dma_start3A_1127 : memref<1000000x32xf32, #tpu.memory_space<hbm>>) target(%dma_start3A_1121 : memref<50x32xf32, #tpu.memory_space<vmem>>) offsets(%dma_start3A_1124 : memref<50xi32, #tpu.memory_space<vmem>>) semaphore(%arg8 : memref<!tpu.dma_semaphore, #tpu.memory_space<semaphore_mem>>)
        %mul3A_1128 = arith.constant 16 : i32
        %mul3A_1129 = arith.muli %add3A_932, %mul3A_1128 : i32
        %add3A_1130 = arith.constant 13 : i32
        %add3A_1131 = arith.addi %mul3A_1129, %add3A_1130 : i32
        %dma_start3A_1132 = arith.constant 13 : i32
        %dma_start3A_1133 = arith.constant 0 : i32
        %dma_start3A_1134 = arith.constant 0 : i32
        %dma_start3A_1135 = tpu.memref_slice %arg6[%dma_start3A_1132, %dma_start3A_1133, %dma_start3A_1134] : memref<16x50x32xf32, #tpu.memory_space<vmem>> -> memref<1x50x32xf32, #tpu.memory_space<vmem>>
        %dma_start3A_1136 = tpu.memref_squeeze %dma_start3A_1135 : memref<1x50x32xf32, #tpu.memory_space<vmem>> -> memref<50x32xf32, #tpu.memory_space<vmem>>
        %dma_start3A_1137 = arith.constant 0 : i32
        %dma_start3A_1138 = tpu.memref_slice %arg5[%add3A_1131, %dma_start3A_1137] : memref<128x50xi32, #tpu.memory_space<vmem>> -> memref<1x50xi32, #tpu.memory_space<vmem>>
        %dma_start3A_1139 = tpu.memref_squeeze %dma_start3A_1138 : memref<1x50xi32, #tpu.memory_space<vmem>> -> memref<50xi32, #tpu.memory_space<vmem>>
        %dma_start3A_1140 = arith.constant 0 : i32
        %dma_start3A_1141 = arith.constant 0 : i32
        %dma_start3A_1142 = tpu.memref_slice %arg3[%dma_start3A_1140, %dma_start3A_1141] : memref<1000000x32xf32, #tpu.memory_space<hbm>> -> memref<1000000x32xf32, #tpu.memory_space<hbm>>
        tpu.enqueue_indirect_dma source(%dma_start3A_1142 : memref<1000000x32xf32, #tpu.memory_space<hbm>>) target(%dma_start3A_1136 : memref<50x32xf32, #tpu.memory_space<vmem>>) offsets(%dma_start3A_1139 : memref<50xi32, #tpu.memory_space<vmem>>) semaphore(%arg8 : memref<!tpu.dma_semaphore, #tpu.memory_space<semaphore_mem>>)
        %mul3A_1143 = arith.constant 16 : i32
        %mul3A_1144 = arith.muli %add3A_932, %mul3A_1143 : i32
        %add3A_1145 = arith.constant 14 : i32
        %add3A_1146 = arith.addi %mul3A_1144, %add3A_1145 : i32
        %dma_start3A_1147 = arith.constant 14 : i32
        %dma_start3A_1148 = arith.constant 0 : i32
        %dma_start3A_1149 = arith.constant 0 : i32
        %dma_start3A_1150 = tpu.memref_slice %arg6[%dma_start3A_1147, %dma_start3A_1148, %dma_start3A_1149] : memref<16x50x32xf32, #tpu.memory_space<vmem>> -> memref<1x50x32xf32, #tpu.memory_space<vmem>>
        %dma_start3A_1151 = tpu.memref_squeeze %dma_start3A_1150 : memref<1x50x32xf32, #tpu.memory_space<vmem>> -> memref<50x32xf32, #tpu.memory_space<vmem>>
        %dma_start3A_1152 = arith.constant 0 : i32
        %dma_start3A_1153 = tpu.memref_slice %arg5[%add3A_1146, %dma_start3A_1152] : memref<128x50xi32, #tpu.memory_space<vmem>> -> memref<1x50xi32, #tpu.memory_space<vmem>>
        %dma_start3A_1154 = tpu.memref_squeeze %dma_start3A_1153 : memref<1x50xi32, #tpu.memory_space<vmem>> -> memref<50xi32, #tpu.memory_space<vmem>>
        %dma_start3A_1155 = arith.constant 0 : i32
        %dma_start3A_1156 = arith.constant 0 : i32
        %dma_start3A_1157 = tpu.memref_slice %arg3[%dma_start3A_1155, %dma_start3A_1156] : memref<1000000x32xf32, #tpu.memory_space<hbm>> -> memref<1000000x32xf32, #tpu.memory_space<hbm>>
        tpu.enqueue_indirect_dma source(%dma_start3A_1157 : memref<1000000x32xf32, #tpu.memory_space<hbm>>) target(%dma_start3A_1151 : memref<50x32xf32, #tpu.memory_space<vmem>>) offsets(%dma_start3A_1154 : memref<50xi32, #tpu.memory_space<vmem>>) semaphore(%arg8 : memref<!tpu.dma_semaphore, #tpu.memory_space<semaphore_mem>>)
        %mul3A_1158 = arith.constant 16 : i32
        %mul3A_1159 = arith.muli %add3A_932, %mul3A_1158 : i32
        %add3A_1160 = arith.constant 15 : i32
        %add3A_1161 = arith.addi %mul3A_1159, %add3A_1160 : i32
        %dma_start3A_1162 = arith.constant 15 : i32
        %dma_start3A_1163 = arith.constant 0 : i32
        %dma_start3A_1164 = arith.constant 0 : i32
        %dma_start3A_1165 = tpu.memref_slice %arg6[%dma_start3A_1162, %dma_start3A_1163, %dma_start3A_1164] : memref<16x50x32xf32, #tpu.memory_space<vmem>> -> memref<1x50x32xf32, #tpu.memory_space<vmem>>
        %dma_start3A_1166 = tpu.memref_squeeze %dma_start3A_1165 : memref<1x50x32xf32, #tpu.memory_space<vmem>> -> memref<50x32xf32, #tpu.memory_space<vmem>>
        %dma_start3A_1167 = arith.constant 0 : i32
        %dma_start3A_1168 = tpu.memref_slice %arg5[%add3A_1161, %dma_start3A_1167] : memref<128x50xi32, #tpu.memory_space<vmem>> -> memref<1x50xi32, #tpu.memory_space<vmem>>
        %dma_start3A_1169 = tpu.memref_squeeze %dma_start3A_1168 : memref<1x50xi32, #tpu.memory_space<vmem>> -> memref<50xi32, #tpu.memory_space<vmem>>
        %dma_start3A_1170 = arith.constant 0 : i32
        %dma_start3A_1171 = arith.constant 0 : i32
        %dma_start3A_1172 = tpu.memref_slice %arg3[%dma_start3A_1170, %dma_start3A_1171] : memref<1000000x32xf32, #tpu.memory_space<hbm>> -> memref<1000000x32xf32, #tpu.memory_space<hbm>>
        tpu.enqueue_indirect_dma source(%dma_start3A_1172 : memref<1000000x32xf32, #tpu.memory_space<hbm>>) target(%dma_start3A_1166 : memref<50x32xf32, #tpu.memory_space<vmem>>) offsets(%dma_start3A_1169 : memref<50xi32, #tpu.memory_space<vmem>>) semaphore(%arg8 : memref<!tpu.dma_semaphore, #tpu.memory_space<semaphore_mem>>)
      } else {
      }
      %add3A_662 = arith.constant 1 : i32
      %add3A_663 = arith.addi %mul3A_408, %add3A_662 : i32
      %mul3A_664 = arith.constant 16 : i32
      %mul3A_665 = arith.muli %add3A_663, %mul3A_664 : i32
      %add3A_666 = arith.constant 0 : i32
      %add3A_667 = arith.addi %mul3A_665, %add3A_666 : i32
      %dma_wait3A_668 = arith.constant 0 : i32
      %dma_wait3A_669 = arith.constant 0 : i32
      %dma_wait3A_670 = arith.constant 0 : i32
      %dma_wait3A_671 = tpu.memref_slice %arg7[%dma_wait3A_668, %dma_wait3A_669, %dma_wait3A_670] : memref<16x50x32xf32, #tpu.memory_space<vmem>> -> memref<1x50x32xf32, #tpu.memory_space<vmem>>
      %dma_wait3A_672 = tpu.memref_squeeze %dma_wait3A_671 : memref<1x50x32xf32, #tpu.memory_space<vmem>> -> memref<50x32xf32, #tpu.memory_space<vmem>>
      %dma_wait3A_673 = arith.constant 0 : i32
      %dma_wait3A_674 = tpu.memref_slice %arg5[%add3A_667, %dma_wait3A_673] : memref<128x50xi32, #tpu.memory_space<vmem>> -> memref<1x50xi32, #tpu.memory_space<vmem>>
      %dma_wait3A_675 = tpu.memref_squeeze %dma_wait3A_674 : memref<1x50xi32, #tpu.memory_space<vmem>> -> memref<50xi32, #tpu.memory_space<vmem>>
      %dma_wait3A_676 = arith.constant 0 : i32
      %dma_wait3A_677 = arith.constant 0 : i32
      %dma_wait3A_678 = tpu.memref_slice %arg3[%dma_wait3A_676, %dma_wait3A_677] : memref<1000000x32xf32, #tpu.memory_space<hbm>> -> memref<1000000x32xf32, #tpu.memory_space<hbm>>
      tpu.wait_indirect_dma semaphore(%arg9 : memref<!tpu.dma_semaphore, #tpu.memory_space<semaphore_mem>>) src(%dma_wait3A_678 : memref<1000000x32xf32, #tpu.memory_space<hbm>>) dst(%dma_wait3A_672 : memref<50x32xf32, #tpu.memory_space<vmem>>)
      %mul3A_679 = arith.constant 16 : i32
      %mul3A_680 = arith.muli %add3A_663, %mul3A_679 : i32
      %add3A_681 = arith.constant 1 : i32
      %add3A_682 = arith.addi %mul3A_680, %add3A_681 : i32
      %dma_wait3A_683 = arith.constant 1 : i32
      %dma_wait3A_684 = arith.constant 0 : i32
      %dma_wait3A_685 = arith.constant 0 : i32
      %dma_wait3A_686 = tpu.memref_slice %arg7[%dma_wait3A_683, %dma_wait3A_684, %dma_wait3A_685] : memref<16x50x32xf32, #tpu.memory_space<vmem>> -> memref<1x50x32xf32, #tpu.memory_space<vmem>>
      %dma_wait3A_687 = tpu.memref_squeeze %dma_wait3A_686 : memref<1x50x32xf32, #tpu.memory_space<vmem>> -> memref<50x32xf32, #tpu.memory_space<vmem>>
      %dma_wait3A_688 = arith.constant 0 : i32
      %dma_wait3A_689 = tpu.memref_slice %arg5[%add3A_682, %dma_wait3A_688] : memref<128x50xi32, #tpu.memory_space<vmem>> -> memref<1x50xi32, #tpu.memory_space<vmem>>
      %dma_wait3A_690 = tpu.memref_squeeze %dma_wait3A_689 : memref<1x50xi32, #tpu.memory_space<vmem>> -> memref<50xi32, #tpu.memory_space<vmem>>
      %dma_wait3A_691 = arith.constant 0 : i32
      %dma_wait3A_692 = arith.constant 0 : i32
      %dma_wait3A_693 = tpu.memref_slice %arg3[%dma_wait3A_691, %dma_wait3A_692] : memref<1000000x32xf32, #tpu.memory_space<hbm>> -> memref<1000000x32xf32, #tpu.memory_space<hbm>>
      tpu.wait_indirect_dma semaphore(%arg9 : memref<!tpu.dma_semaphore, #tpu.memory_space<semaphore_mem>>) src(%dma_wait3A_693 : memref<1000000x32xf32, #tpu.memory_space<hbm>>) dst(%dma_wait3A_687 : memref<50x32xf32, #tpu.memory_space<vmem>>)
      %mul3A_694 = arith.constant 16 : i32
      %mul3A_695 = arith.muli %add3A_663, %mul3A_694 : i32
      %add3A_696 = arith.constant 2 : i32
      %add3A_697 = arith.addi %mul3A_695, %add3A_696 : i32
      %dma_wait3A_698 = arith.constant 2 : i32
      %dma_wait3A_699 = arith.constant 0 : i32
      %dma_wait3A_700 = arith.constant 0 : i32
      %dma_wait3A_701 = tpu.memref_slice %arg7[%dma_wait3A_698, %dma_wait3A_699, %dma_wait3A_700] : memref<16x50x32xf32, #tpu.memory_space<vmem>> -> memref<1x50x32xf32, #tpu.memory_space<vmem>>
      %dma_wait3A_702 = tpu.memref_squeeze %dma_wait3A_701 : memref<1x50x32xf32, #tpu.memory_space<vmem>> -> memref<50x32xf32, #tpu.memory_space<vmem>>
      %dma_wait3A_703 = arith.constant 0 : i32
      %dma_wait3A_704 = tpu.memref_slice %arg5[%add3A_697, %dma_wait3A_703] : memref<128x50xi32, #tpu.memory_space<vmem>> -> memref<1x50xi32, #tpu.memory_space<vmem>>
      %dma_wait3A_705 = tpu.memref_squeeze %dma_wait3A_704 : memref<1x50xi32, #tpu.memory_space<vmem>> -> memref<50xi32, #tpu.memory_space<vmem>>
      %dma_wait3A_706 = arith.constant 0 : i32
      %dma_wait3A_707 = arith.constant 0 : i32
      %dma_wait3A_708 = tpu.memref_slice %arg3[%dma_wait3A_706, %dma_wait3A_707] : memref<1000000x32xf32, #tpu.memory_space<hbm>> -> memref<1000000x32xf32, #tpu.memory_space<hbm>>
      tpu.wait_indirect_dma semaphore(%arg9 : memref<!tpu.dma_semaphore, #tpu.memory_space<semaphore_mem>>) src(%dma_wait3A_708 : memref<1000000x32xf32, #tpu.memory_space<hbm>>) dst(%dma_wait3A_702 : memref<50x32xf32, #tpu.memory_space<vmem>>)
      %mul3A_709 = arith.constant 16 : i32
      %mul3A_710 = arith.muli %add3A_663, %mul3A_709 : i32
      %add3A_711 = arith.constant 3 : i32
      %add3A_712 = arith.addi %mul3A_710, %add3A_711 : i32
      %dma_wait3A_713 = arith.constant 3 : i32
      %dma_wait3A_714 = arith.constant 0 : i32
      %dma_wait3A_715 = arith.constant 0 : i32
      %dma_wait3A_716 = tpu.memref_slice %arg7[%dma_wait3A_713, %dma_wait3A_714, %dma_wait3A_715] : memref<16x50x32xf32, #tpu.memory_space<vmem>> -> memref<1x50x32xf32, #tpu.memory_space<vmem>>
      %dma_wait3A_717 = tpu.memref_squeeze %dma_wait3A_716 : memref<1x50x32xf32, #tpu.memory_space<vmem>> -> memref<50x32xf32, #tpu.memory_space<vmem>>
      %dma_wait3A_718 = arith.constant 0 : i32
      %dma_wait3A_719 = tpu.memref_slice %arg5[%add3A_712, %dma_wait3A_718] : memref<128x50xi32, #tpu.memory_space<vmem>> -> memref<1x50xi32, #tpu.memory_space<vmem>>
      %dma_wait3A_720 = tpu.memref_squeeze %dma_wait3A_719 : memref<1x50xi32, #tpu.memory_space<vmem>> -> memref<50xi32, #tpu.memory_space<vmem>>
      %dma_wait3A_721 = arith.constant 0 : i32
      %dma_wait3A_722 = arith.constant 0 : i32
      %dma_wait3A_723 = tpu.memref_slice %arg3[%dma_wait3A_721, %dma_wait3A_722] : memref<1000000x32xf32, #tpu.memory_space<hbm>> -> memref<1000000x32xf32, #tpu.memory_space<hbm>>
      tpu.wait_indirect_dma semaphore(%arg9 : memref<!tpu.dma_semaphore, #tpu.memory_space<semaphore_mem>>) src(%dma_wait3A_723 : memref<1000000x32xf32, #tpu.memory_space<hbm>>) dst(%dma_wait3A_717 : memref<50x32xf32, #tpu.memory_space<vmem>>)
      %mul3A_724 = arith.constant 16 : i32
      %mul3A_725 = arith.muli %add3A_663, %mul3A_724 : i32
      %add3A_726 = arith.constant 4 : i32
      %add3A_727 = arith.addi %mul3A_725, %add3A_726 : i32
      %dma_wait3A_728 = arith.constant 4 : i32
      %dma_wait3A_729 = arith.constant 0 : i32
      %dma_wait3A_730 = arith.constant 0 : i32
      %dma_wait3A_731 = tpu.memref_slice %arg7[%dma_wait3A_728, %dma_wait3A_729, %dma_wait3A_730] : memref<16x50x32xf32, #tpu.memory_space<vmem>> -> memref<1x50x32xf32, #tpu.memory_space<vmem>>
      %dma_wait3A_732 = tpu.memref_squeeze %dma_wait3A_731 : memref<1x50x32xf32, #tpu.memory_space<vmem>> -> memref<50x32xf32, #tpu.memory_space<vmem>>
      %dma_wait3A_733 = arith.constant 0 : i32
      %dma_wait3A_734 = tpu.memref_slice %arg5[%add3A_727, %dma_wait3A_733] : memref<128x50xi32, #tpu.memory_space<vmem>> -> memref<1x50xi32, #tpu.memory_space<vmem>>
      %dma_wait3A_735 = tpu.memref_squeeze %dma_wait3A_734 : memref<1x50xi32, #tpu.memory_space<vmem>> -> memref<50xi32, #tpu.memory_space<vmem>>
      %dma_wait3A_736 = arith.constant 0 : i32
      %dma_wait3A_737 = arith.constant 0 : i32
      %dma_wait3A_738 = tpu.memref_slice %arg3[%dma_wait3A_736, %dma_wait3A_737] : memref<1000000x32xf32, #tpu.memory_space<hbm>> -> memref<1000000x32xf32, #tpu.memory_space<hbm>>
      tpu.wait_indirect_dma semaphore(%arg9 : memref<!tpu.dma_semaphore, #tpu.memory_space<semaphore_mem>>) src(%dma_wait3A_738 : memref<1000000x32xf32, #tpu.memory_space<hbm>>) dst(%dma_wait3A_732 : memref<50x32xf32, #tpu.memory_space<vmem>>)
      %mul3A_739 = arith.constant 16 : i32
      %mul3A_740 = arith.muli %add3A_663, %mul3A_739 : i32
      %add3A_741 = arith.constant 5 : i32
      %add3A_742 = arith.addi %mul3A_740, %add3A_741 : i32
      %dma_wait3A_743 = arith.constant 5 : i32
      %dma_wait3A_744 = arith.constant 0 : i32
      %dma_wait3A_745 = arith.constant 0 : i32
      %dma_wait3A_746 = tpu.memref_slice %arg7[%dma_wait3A_743, %dma_wait3A_744, %dma_wait3A_745] : memref<16x50x32xf32, #tpu.memory_space<vmem>> -> memref<1x50x32xf32, #tpu.memory_space<vmem>>
      %dma_wait3A_747 = tpu.memref_squeeze %dma_wait3A_746 : memref<1x50x32xf32, #tpu.memory_space<vmem>> -> memref<50x32xf32, #tpu.memory_space<vmem>>
      %dma_wait3A_748 = arith.constant 0 : i32
      %dma_wait3A_749 = tpu.memref_slice %arg5[%add3A_742, %dma_wait3A_748] : memref<128x50xi32, #tpu.memory_space<vmem>> -> memref<1x50xi32, #tpu.memory_space<vmem>>
      %dma_wait3A_750 = tpu.memref_squeeze %dma_wait3A_749 : memref<1x50xi32, #tpu.memory_space<vmem>> -> memref<50xi32, #tpu.memory_space<vmem>>
      %dma_wait3A_751 = arith.constant 0 : i32
      %dma_wait3A_752 = arith.constant 0 : i32
      %dma_wait3A_753 = tpu.memref_slice %arg3[%dma_wait3A_751, %dma_wait3A_752] : memref<1000000x32xf32, #tpu.memory_space<hbm>> -> memref<1000000x32xf32, #tpu.memory_space<hbm>>
      tpu.wait_indirect_dma semaphore(%arg9 : memref<!tpu.dma_semaphore, #tpu.memory_space<semaphore_mem>>) src(%dma_wait3A_753 : memref<1000000x32xf32, #tpu.memory_space<hbm>>) dst(%dma_wait3A_747 : memref<50x32xf32, #tpu.memory_space<vmem>>)
      %mul3A_754 = arith.constant 16 : i32
      %mul3A_755 = arith.muli %add3A_663, %mul3A_754 : i32
      %add3A_756 = arith.constant 6 : i32
      %add3A_757 = arith.addi %mul3A_755, %add3A_756 : i32
      %dma_wait3A_758 = arith.constant 6 : i32
      %dma_wait3A_759 = arith.constant 0 : i32
      %dma_wait3A_760 = arith.constant 0 : i32
      %dma_wait3A_761 = tpu.memref_slice %arg7[%dma_wait3A_758, %dma_wait3A_759, %dma_wait3A_760] : memref<16x50x32xf32, #tpu.memory_space<vmem>> -> memref<1x50x32xf32, #tpu.memory_space<vmem>>
      %dma_wait3A_762 = tpu.memref_squeeze %dma_wait3A_761 : memref<1x50x32xf32, #tpu.memory_space<vmem>> -> memref<50x32xf32, #tpu.memory_space<vmem>>
      %dma_wait3A_763 = arith.constant 0 : i32
      %dma_wait3A_764 = tpu.memref_slice %arg5[%add3A_757, %dma_wait3A_763] : memref<128x50xi32, #tpu.memory_space<vmem>> -> memref<1x50xi32, #tpu.memory_space<vmem>>
      %dma_wait3A_765 = tpu.memref_squeeze %dma_wait3A_764 : memref<1x50xi32, #tpu.memory_space<vmem>> -> memref<50xi32, #tpu.memory_space<vmem>>
      %dma_wait3A_766 = arith.constant 0 : i32
      %dma_wait3A_767 = arith.constant 0 : i32
      %dma_wait3A_768 = tpu.memref_slice %arg3[%dma_wait3A_766, %dma_wait3A_767] : memref<1000000x32xf32, #tpu.memory_space<hbm>> -> memref<1000000x32xf32, #tpu.memory_space<hbm>>
      tpu.wait_indirect_dma semaphore(%arg9 : memref<!tpu.dma_semaphore, #tpu.memory_space<semaphore_mem>>) src(%dma_wait3A_768 : memref<1000000x32xf32, #tpu.memory_space<hbm>>) dst(%dma_wait3A_762 : memref<50x32xf32, #tpu.memory_space<vmem>>)
      %mul3A_769 = arith.constant 16 : i32
      %mul3A_770 = arith.muli %add3A_663, %mul3A_769 : i32
      %add3A_771 = arith.constant 7 : i32
      %add3A_772 = arith.addi %mul3A_770, %add3A_771 : i32
      %dma_wait3A_773 = arith.constant 7 : i32
      %dma_wait3A_774 = arith.constant 0 : i32
      %dma_wait3A_775 = arith.constant 0 : i32
      %dma_wait3A_776 = tpu.memref_slice %arg7[%dma_wait3A_773, %dma_wait3A_774, %dma_wait3A_775] : memref<16x50x32xf32, #tpu.memory_space<vmem>> -> memref<1x50x32xf32, #tpu.memory_space<vmem>>
      %dma_wait3A_777 = tpu.memref_squeeze %dma_wait3A_776 : memref<1x50x32xf32, #tpu.memory_space<vmem>> -> memref<50x32xf32, #tpu.memory_space<vmem>>
      %dma_wait3A_778 = arith.constant 0 : i32
      %dma_wait3A_779 = tpu.memref_slice %arg5[%add3A_772, %dma_wait3A_778] : memref<128x50xi32, #tpu.memory_space<vmem>> -> memref<1x50xi32, #tpu.memory_space<vmem>>
      %dma_wait3A_780 = tpu.memref_squeeze %dma_wait3A_779 : memref<1x50xi32, #tpu.memory_space<vmem>> -> memref<50xi32, #tpu.memory_space<vmem>>
      %dma_wait3A_781 = arith.constant 0 : i32
      %dma_wait3A_782 = arith.constant 0 : i32
      %dma_wait3A_783 = tpu.memref_slice %arg3[%dma_wait3A_781, %dma_wait3A_782] : memref<1000000x32xf32, #tpu.memory_space<hbm>> -> memref<1000000x32xf32, #tpu.memory_space<hbm>>
      tpu.wait_indirect_dma semaphore(%arg9 : memref<!tpu.dma_semaphore, #tpu.memory_space<semaphore_mem>>) src(%dma_wait3A_783 : memref<1000000x32xf32, #tpu.memory_space<hbm>>) dst(%dma_wait3A_777 : memref<50x32xf32, #tpu.memory_space<vmem>>)
      %mul3A_784 = arith.constant 16 : i32
      %mul3A_785 = arith.muli %add3A_663, %mul3A_784 : i32
      %add3A_786 = arith.constant 8 : i32
      %add3A_787 = arith.addi %mul3A_785, %add3A_786 : i32
      %dma_wait3A_788 = arith.constant 8 : i32
      %dma_wait3A_789 = arith.constant 0 : i32
      %dma_wait3A_790 = arith.constant 0 : i32
      %dma_wait3A_791 = tpu.memref_slice %arg7[%dma_wait3A_788, %dma_wait3A_789, %dma_wait3A_790] : memref<16x50x32xf32, #tpu.memory_space<vmem>> -> memref<1x50x32xf32, #tpu.memory_space<vmem>>
      %dma_wait3A_792 = tpu.memref_squeeze %dma_wait3A_791 : memref<1x50x32xf32, #tpu.memory_space<vmem>> -> memref<50x32xf32, #tpu.memory_space<vmem>>
      %dma_wait3A_793 = arith.constant 0 : i32
      %dma_wait3A_794 = tpu.memref_slice %arg5[%add3A_787, %dma_wait3A_793] : memref<128x50xi32, #tpu.memory_space<vmem>> -> memref<1x50xi32, #tpu.memory_space<vmem>>
      %dma_wait3A_795 = tpu.memref_squeeze %dma_wait3A_794 : memref<1x50xi32, #tpu.memory_space<vmem>> -> memref<50xi32, #tpu.memory_space<vmem>>
      %dma_wait3A_796 = arith.constant 0 : i32
      %dma_wait3A_797 = arith.constant 0 : i32
      %dma_wait3A_798 = tpu.memref_slice %arg3[%dma_wait3A_796, %dma_wait3A_797] : memref<1000000x32xf32, #tpu.memory_space<hbm>> -> memref<1000000x32xf32, #tpu.memory_space<hbm>>
      tpu.wait_indirect_dma semaphore(%arg9 : memref<!tpu.dma_semaphore, #tpu.memory_space<semaphore_mem>>) src(%dma_wait3A_798 : memref<1000000x32xf32, #tpu.memory_space<hbm>>) dst(%dma_wait3A_792 : memref<50x32xf32, #tpu.memory_space<vmem>>)
      %mul3A_799 = arith.constant 16 : i32
      %mul3A_800 = arith.muli %add3A_663, %mul3A_799 : i32
      %add3A_801 = arith.constant 9 : i32
      %add3A_802 = arith.addi %mul3A_800, %add3A_801 : i32
      %dma_wait3A_803 = arith.constant 9 : i32
      %dma_wait3A_804 = arith.constant 0 : i32
      %dma_wait3A_805 = arith.constant 0 : i32
      %dma_wait3A_806 = tpu.memref_slice %arg7[%dma_wait3A_803, %dma_wait3A_804, %dma_wait3A_805] : memref<16x50x32xf32, #tpu.memory_space<vmem>> -> memref<1x50x32xf32, #tpu.memory_space<vmem>>
      %dma_wait3A_807 = tpu.memref_squeeze %dma_wait3A_806 : memref<1x50x32xf32, #tpu.memory_space<vmem>> -> memref<50x32xf32, #tpu.memory_space<vmem>>
      %dma_wait3A_808 = arith.constant 0 : i32
      %dma_wait3A_809 = tpu.memref_slice %arg5[%add3A_802, %dma_wait3A_808] : memref<128x50xi32, #tpu.memory_space<vmem>> -> memref<1x50xi32, #tpu.memory_space<vmem>>
      %dma_wait3A_810 = tpu.memref_squeeze %dma_wait3A_809 : memref<1x50xi32, #tpu.memory_space<vmem>> -> memref<50xi32, #tpu.memory_space<vmem>>
      %dma_wait3A_811 = arith.constant 0 : i32
      %dma_wait3A_812 = arith.constant 0 : i32
      %dma_wait3A_813 = tpu.memref_slice %arg3[%dma_wait3A_811, %dma_wait3A_812] : memref<1000000x32xf32, #tpu.memory_space<hbm>> -> memref<1000000x32xf32, #tpu.memory_space<hbm>>
      tpu.wait_indirect_dma semaphore(%arg9 : memref<!tpu.dma_semaphore, #tpu.memory_space<semaphore_mem>>) src(%dma_wait3A_813 : memref<1000000x32xf32, #tpu.memory_space<hbm>>) dst(%dma_wait3A_807 : memref<50x32xf32, #tpu.memory_space<vmem>>)
      %mul3A_814 = arith.constant 16 : i32
      %mul3A_815 = arith.muli %add3A_663, %mul3A_814 : i32
      %add3A_816 = arith.constant 10 : i32
      %add3A_817 = arith.addi %mul3A_815, %add3A_816 : i32
      %dma_wait3A_818 = arith.constant 10 : i32
      %dma_wait3A_819 = arith.constant 0 : i32
      %dma_wait3A_820 = arith.constant 0 : i32
      %dma_wait3A_821 = tpu.memref_slice %arg7[%dma_wait3A_818, %dma_wait3A_819, %dma_wait3A_820] : memref<16x50x32xf32, #tpu.memory_space<vmem>> -> memref<1x50x32xf32, #tpu.memory_space<vmem>>
      %dma_wait3A_822 = tpu.memref_squeeze %dma_wait3A_821 : memref<1x50x32xf32, #tpu.memory_space<vmem>> -> memref<50x32xf32, #tpu.memory_space<vmem>>
      %dma_wait3A_823 = arith.constant 0 : i32
      %dma_wait3A_824 = tpu.memref_slice %arg5[%add3A_817, %dma_wait3A_823] : memref<128x50xi32, #tpu.memory_space<vmem>> -> memref<1x50xi32, #tpu.memory_space<vmem>>
      %dma_wait3A_825 = tpu.memref_squeeze %dma_wait3A_824 : memref<1x50xi32, #tpu.memory_space<vmem>> -> memref<50xi32, #tpu.memory_space<vmem>>
      %dma_wait3A_826 = arith.constant 0 : i32
      %dma_wait3A_827 = arith.constant 0 : i32
      %dma_wait3A_828 = tpu.memref_slice %arg3[%dma_wait3A_826, %dma_wait3A_827] : memref<1000000x32xf32, #tpu.memory_space<hbm>> -> memref<1000000x32xf32, #tpu.memory_space<hbm>>
      tpu.wait_indirect_dma semaphore(%arg9 : memref<!tpu.dma_semaphore, #tpu.memory_space<semaphore_mem>>) src(%dma_wait3A_828 : memref<1000000x32xf32, #tpu.memory_space<hbm>>) dst(%dma_wait3A_822 : memref<50x32xf32, #tpu.memory_space<vmem>>)
      %mul3A_829 = arith.constant 16 : i32
      %mul3A_830 = arith.muli %add3A_663, %mul3A_829 : i32
      %add3A_831 = arith.constant 11 : i32
      %add3A_832 = arith.addi %mul3A_830, %add3A_831 : i32
      %dma_wait3A_833 = arith.constant 11 : i32
      %dma_wait3A_834 = arith.constant 0 : i32
      %dma_wait3A_835 = arith.constant 0 : i32
      %dma_wait3A_836 = tpu.memref_slice %arg7[%dma_wait3A_833, %dma_wait3A_834, %dma_wait3A_835] : memref<16x50x32xf32, #tpu.memory_space<vmem>> -> memref<1x50x32xf32, #tpu.memory_space<vmem>>
      %dma_wait3A_837 = tpu.memref_squeeze %dma_wait3A_836 : memref<1x50x32xf32, #tpu.memory_space<vmem>> -> memref<50x32xf32, #tpu.memory_space<vmem>>
      %dma_wait3A_838 = arith.constant 0 : i32
      %dma_wait3A_839 = tpu.memref_slice %arg5[%add3A_832, %dma_wait3A_838] : memref<128x50xi32, #tpu.memory_space<vmem>> -> memref<1x50xi32, #tpu.memory_space<vmem>>
      %dma_wait3A_840 = tpu.memref_squeeze %dma_wait3A_839 : memref<1x50xi32, #tpu.memory_space<vmem>> -> memref<50xi32, #tpu.memory_space<vmem>>
      %dma_wait3A_841 = arith.constant 0 : i32
      %dma_wait3A_842 = arith.constant 0 : i32
      %dma_wait3A_843 = tpu.memref_slice %arg3[%dma_wait3A_841, %dma_wait3A_842] : memref<1000000x32xf32, #tpu.memory_space<hbm>> -> memref<1000000x32xf32, #tpu.memory_space<hbm>>
      tpu.wait_indirect_dma semaphore(%arg9 : memref<!tpu.dma_semaphore, #tpu.memory_space<semaphore_mem>>) src(%dma_wait3A_843 : memref<1000000x32xf32, #tpu.memory_space<hbm>>) dst(%dma_wait3A_837 : memref<50x32xf32, #tpu.memory_space<vmem>>)
      %mul3A_844 = arith.constant 16 : i32
      %mul3A_845 = arith.muli %add3A_663, %mul3A_844 : i32
      %add3A_846 = arith.constant 12 : i32
      %add3A_847 = arith.addi %mul3A_845, %add3A_846 : i32
      %dma_wait3A_848 = arith.constant 12 : i32
      %dma_wait3A_849 = arith.constant 0 : i32
      %dma_wait3A_850 = arith.constant 0 : i32
      %dma_wait3A_851 = tpu.memref_slice %arg7[%dma_wait3A_848, %dma_wait3A_849, %dma_wait3A_850] : memref<16x50x32xf32, #tpu.memory_space<vmem>> -> memref<1x50x32xf32, #tpu.memory_space<vmem>>
      %dma_wait3A_852 = tpu.memref_squeeze %dma_wait3A_851 : memref<1x50x32xf32, #tpu.memory_space<vmem>> -> memref<50x32xf32, #tpu.memory_space<vmem>>
      %dma_wait3A_853 = arith.constant 0 : i32
      %dma_wait3A_854 = tpu.memref_slice %arg5[%add3A_847, %dma_wait3A_853] : memref<128x50xi32, #tpu.memory_space<vmem>> -> memref<1x50xi32, #tpu.memory_space<vmem>>
      %dma_wait3A_855 = tpu.memref_squeeze %dma_wait3A_854 : memref<1x50xi32, #tpu.memory_space<vmem>> -> memref<50xi32, #tpu.memory_space<vmem>>
      %dma_wait3A_856 = arith.constant 0 : i32
      %dma_wait3A_857 = arith.constant 0 : i32
      %dma_wait3A_858 = tpu.memref_slice %arg3[%dma_wait3A_856, %dma_wait3A_857] : memref<1000000x32xf32, #tpu.memory_space<hbm>> -> memref<1000000x32xf32, #tpu.memory_space<hbm>>
      tpu.wait_indirect_dma semaphore(%arg9 : memref<!tpu.dma_semaphore, #tpu.memory_space<semaphore_mem>>) src(%dma_wait3A_858 : memref<1000000x32xf32, #tpu.memory_space<hbm>>) dst(%dma_wait3A_852 : memref<50x32xf32, #tpu.memory_space<vmem>>)
      %mul3A_859 = arith.constant 16 : i32
      %mul3A_860 = arith.muli %add3A_663, %mul3A_859 : i32
      %add3A_861 = arith.constant 13 : i32
      %add3A_862 = arith.addi %mul3A_860, %add3A_861 : i32
      %dma_wait3A_863 = arith.constant 13 : i32
      %dma_wait3A_864 = arith.constant 0 : i32
      %dma_wait3A_865 = arith.constant 0 : i32
      %dma_wait3A_866 = tpu.memref_slice %arg7[%dma_wait3A_863, %dma_wait3A_864, %dma_wait3A_865] : memref<16x50x32xf32, #tpu.memory_space<vmem>> -> memref<1x50x32xf32, #tpu.memory_space<vmem>>
      %dma_wait3A_867 = tpu.memref_squeeze %dma_wait3A_866 : memref<1x50x32xf32, #tpu.memory_space<vmem>> -> memref<50x32xf32, #tpu.memory_space<vmem>>
      %dma_wait3A_868 = arith.constant 0 : i32
      %dma_wait3A_869 = tpu.memref_slice %arg5[%add3A_862, %dma_wait3A_868] : memref<128x50xi32, #tpu.memory_space<vmem>> -> memref<1x50xi32, #tpu.memory_space<vmem>>
      %dma_wait3A_870 = tpu.memref_squeeze %dma_wait3A_869 : memref<1x50xi32, #tpu.memory_space<vmem>> -> memref<50xi32, #tpu.memory_space<vmem>>
      %dma_wait3A_871 = arith.constant 0 : i32
      %dma_wait3A_872 = arith.constant 0 : i32
      %dma_wait3A_873 = tpu.memref_slice %arg3[%dma_wait3A_871, %dma_wait3A_872] : memref<1000000x32xf32, #tpu.memory_space<hbm>> -> memref<1000000x32xf32, #tpu.memory_space<hbm>>
      tpu.wait_indirect_dma semaphore(%arg9 : memref<!tpu.dma_semaphore, #tpu.memory_space<semaphore_mem>>) src(%dma_wait3A_873 : memref<1000000x32xf32, #tpu.memory_space<hbm>>) dst(%dma_wait3A_867 : memref<50x32xf32, #tpu.memory_space<vmem>>)
      %mul3A_874 = arith.constant 16 : i32
      %mul3A_875 = arith.muli %add3A_663, %mul3A_874 : i32
      %add3A_876 = arith.constant 14 : i32
      %add3A_877 = arith.addi %mul3A_875, %add3A_876 : i32
      %dma_wait3A_878 = arith.constant 14 : i32
      %dma_wait3A_879 = arith.constant 0 : i32
      %dma_wait3A_880 = arith.constant 0 : i32
      %dma_wait3A_881 = tpu.memref_slice %arg7[%dma_wait3A_878, %dma_wait3A_879, %dma_wait3A_880] : memref<16x50x32xf32, #tpu.memory_space<vmem>> -> memref<1x50x32xf32, #tpu.memory_space<vmem>>
      %dma_wait3A_882 = tpu.memref_squeeze %dma_wait3A_881 : memref<1x50x32xf32, #tpu.memory_space<vmem>> -> memref<50x32xf32, #tpu.memory_space<vmem>>
      %dma_wait3A_883 = arith.constant 0 : i32
      %dma_wait3A_884 = tpu.memref_slice %arg5[%add3A_877, %dma_wait3A_883] : memref<128x50xi32, #tpu.memory_space<vmem>> -> memref<1x50xi32, #tpu.memory_space<vmem>>
      %dma_wait3A_885 = tpu.memref_squeeze %dma_wait3A_884 : memref<1x50xi32, #tpu.memory_space<vmem>> -> memref<50xi32, #tpu.memory_space<vmem>>
      %dma_wait3A_886 = arith.constant 0 : i32
      %dma_wait3A_887 = arith.constant 0 : i32
      %dma_wait3A_888 = tpu.memref_slice %arg3[%dma_wait3A_886, %dma_wait3A_887] : memref<1000000x32xf32, #tpu.memory_space<hbm>> -> memref<1000000x32xf32, #tpu.memory_space<hbm>>
      tpu.wait_indirect_dma semaphore(%arg9 : memref<!tpu.dma_semaphore, #tpu.memory_space<semaphore_mem>>) src(%dma_wait3A_888 : memref<1000000x32xf32, #tpu.memory_space<hbm>>) dst(%dma_wait3A_882 : memref<50x32xf32, #tpu.memory_space<vmem>>)
      %mul3A_889 = arith.constant 16 : i32
      %mul3A_890 = arith.muli %add3A_663, %mul3A_889 : i32
      %add3A_891 = arith.constant 15 : i32
      %add3A_892 = arith.addi %mul3A_890, %add3A_891 : i32
      %dma_wait3A_893 = arith.constant 15 : i32
      %dma_wait3A_894 = arith.constant 0 : i32
      %dma_wait3A_895 = arith.constant 0 : i32
      %dma_wait3A_896 = tpu.memref_slice %arg7[%dma_wait3A_893, %dma_wait3A_894, %dma_wait3A_895] : memref<16x50x32xf32, #tpu.memory_space<vmem>> -> memref<1x50x32xf32, #tpu.memory_space<vmem>>
      %dma_wait3A_897 = tpu.memref_squeeze %dma_wait3A_896 : memref<1x50x32xf32, #tpu.memory_space<vmem>> -> memref<50x32xf32, #tpu.memory_space<vmem>>
      %dma_wait3A_898 = arith.constant 0 : i32
      %dma_wait3A_899 = tpu.memref_slice %arg5[%add3A_892, %dma_wait3A_898] : memref<128x50xi32, #tpu.memory_space<vmem>> -> memref<1x50xi32, #tpu.memory_space<vmem>>
      %dma_wait3A_900 = tpu.memref_squeeze %dma_wait3A_899 : memref<1x50xi32, #tpu.memory_space<vmem>> -> memref<50xi32, #tpu.memory_space<vmem>>
      %dma_wait3A_901 = arith.constant 0 : i32
      %dma_wait3A_902 = arith.constant 0 : i32
      %dma_wait3A_903 = tpu.memref_slice %arg3[%dma_wait3A_901, %dma_wait3A_902] : memref<1000000x32xf32, #tpu.memory_space<hbm>> -> memref<1000000x32xf32, #tpu.memory_space<hbm>>
      tpu.wait_indirect_dma semaphore(%arg9 : memref<!tpu.dma_semaphore, #tpu.memory_space<semaphore_mem>>) src(%dma_wait3A_903 : memref<1000000x32xf32, #tpu.memory_space<hbm>>) dst(%dma_wait3A_897 : memref<50x32xf32, #tpu.memory_space<vmem>>)
      %add3A_904 = arith.constant 1 : i32
      %add3A_905 = arith.addi %mul3A_408, %add3A_904 : i32
      %mul3A_906 = arith.constant 16 : i32
      %mul3A_907 = arith.muli %add3A_905, %mul3A_906 : i32
      %add3A_908 = arith.addi %mul3A_2, %mul3A_907 : i32
      %dma_start3A_909 = arith.constant 0 : i32
      %dma_start3A_910 = arith.constant 0 : i32
      %dma_start3A_911 = tpu.memref_slice %arg4[%add3A_908, %dma_start3A_909, %dma_start3A_910] : memref<4096x50x32xf32, #tpu.memory_space<hbm>> -> memref<16x50x32xf32, #tpu.memory_space<hbm>>
      %dma_start3A_912 = arith.constant 0 : i32
      %dma_start3A_913 = arith.constant 0 : i32
      %dma_start3A_914 = tpu.memref_slice %arg4[%add3A_908, %dma_start3A_912, %dma_start3A_913] : memref<4096x50x32xf32, #tpu.memory_space<hbm>> -> memref<16x50x32xf32, #tpu.memory_space<hbm>>
      tpu.enqueue_dma source(%arg7 : memref<16x50x32xf32, #tpu.memory_space<vmem>>) target(%dma_start3A_914 : memref<16x50x32xf32, #tpu.memory_space<hbm>>) target_semaphore(%arg11 : memref<!tpu.dma_semaphore, #tpu.memory_space<semaphore_mem>>)
      %add3A_915 = arith.constant 3 : i32
      %add3A_916 = arith.addi %mul3A_408, %add3A_915 : i32
      %lt3A_917 = arith.constant 8 : i32
      %lt3A_918 = arith.cmpi slt, %add3A_916, %lt3A_917 : i32
      %convert_element_type3A_919 = arith.extui %lt3A_918 : i1 to i32
      %cond3A_920 = arith.constant 0 : i32
      %cond3A_921 = arith.cmpi ne, %convert_element_type3A_919, %cond3A_920 : i32
      scf.if %cond3A_921 {
        %add3A_922 = arith.constant 1 : i32
        %add3A_923 = arith.addi %mul3A_408, %add3A_922 : i32
        %mul3A_924 = arith.constant 16 : i32
        %mul3A_925 = arith.muli %add3A_923, %mul3A_924 : i32
        %add3A_926 = arith.addi %mul3A_2, %mul3A_925 : i32
        %dma_wait3A_927 = arith.constant 0 : i32
        %dma_wait3A_928 = arith.constant 0 : i32
        %dma_wait3A_929 = tpu.memref_slice %arg4[%add3A_926, %dma_wait3A_927, %dma_wait3A_928] : memref<4096x50x32xf32, #tpu.memory_space<hbm>> -> memref<16x50x32xf32, #tpu.memory_space<hbm>>
        %dma_wait3A_930 = arith.constant 0 : i32
        %dma_wait3A_931 = arith.constant 0 : i32
        %dma_wait3A_932 = tpu.memref_slice %arg4[%add3A_926, %dma_wait3A_930, %dma_wait3A_931] : memref<4096x50x32xf32, #tpu.memory_space<hbm>> -> memref<16x50x32xf32, #tpu.memory_space<hbm>>
        tpu.wait_dma2 semaphore(%arg11 : memref<!tpu.dma_semaphore, #tpu.memory_space<semaphore_mem>>) src(%arg7 : memref<16x50x32xf32, #tpu.memory_space<vmem>>) dst(%dma_wait3A_932 : memref<16x50x32xf32, #tpu.memory_space<hbm>>)
        %add3A_933 = arith.constant 3 : i32
        %add3A_934 = arith.addi %mul3A_408, %add3A_933 : i32
        %mul3A_935 = arith.constant 16 : i32
        %mul3A_936 = arith.muli %add3A_934, %mul3A_935 : i32
        %add3A_937 = arith.constant 0 : i32
        %add3A_938 = arith.addi %mul3A_936, %add3A_937 : i32
        %dma_start3A_939 = arith.constant 0 : i32
        %dma_start3A_940 = arith.constant 0 : i32
        %dma_start3A_941 = arith.constant 0 : i32
        %dma_start3A_942 = tpu.memref_slice %arg7[%dma_start3A_939, %dma_start3A_940, %dma_start3A_941] : memref<16x50x32xf32, #tpu.memory_space<vmem>> -> memref<1x50x32xf32, #tpu.memory_space<vmem>>
        %dma_start3A_943 = tpu.memref_squeeze %dma_start3A_942 : memref<1x50x32xf32, #tpu.memory_space<vmem>> -> memref<50x32xf32, #tpu.memory_space<vmem>>
        %dma_start3A_944 = arith.constant 0 : i32
        %dma_start3A_945 = tpu.memref_slice %arg5[%add3A_938, %dma_start3A_944] : memref<128x50xi32, #tpu.memory_space<vmem>> -> memref<1x50xi32, #tpu.memory_space<vmem>>
        %dma_start3A_946 = tpu.memref_squeeze %dma_start3A_945 : memref<1x50xi32, #tpu.memory_space<vmem>> -> memref<50xi32, #tpu.memory_space<vmem>>
        %dma_start3A_947 = arith.constant 0 : i32
        %dma_start3A_948 = arith.constant 0 : i32
        %dma_start3A_949 = tpu.memref_slice %arg3[%dma_start3A_947, %dma_start3A_948] : memref<1000000x32xf32, #tpu.memory_space<hbm>> -> memref<1000000x32xf32, #tpu.memory_space<hbm>>
        tpu.enqueue_indirect_dma source(%dma_start3A_949 : memref<1000000x32xf32, #tpu.memory_space<hbm>>) target(%dma_start3A_943 : memref<50x32xf32, #tpu.memory_space<vmem>>) offsets(%dma_start3A_946 : memref<50xi32, #tpu.memory_space<vmem>>) semaphore(%arg9 : memref<!tpu.dma_semaphore, #tpu.memory_space<semaphore_mem>>)
        %mul3A_950 = arith.constant 16 : i32
        %mul3A_951 = arith.muli %add3A_934, %mul3A_950 : i32
        %add3A_952 = arith.constant 1 : i32
        %add3A_953 = arith.addi %mul3A_951, %add3A_952 : i32
        %dma_start3A_954 = arith.constant 1 : i32
        %dma_start3A_955 = arith.constant 0 : i32
        %dma_start3A_956 = arith.constant 0 : i32
        %dma_start3A_957 = tpu.memref_slice %arg7[%dma_start3A_954, %dma_start3A_955, %dma_start3A_956] : memref<16x50x32xf32, #tpu.memory_space<vmem>> -> memref<1x50x32xf32, #tpu.memory_space<vmem>>
        %dma_start3A_958 = tpu.memref_squeeze %dma_start3A_957 : memref<1x50x32xf32, #tpu.memory_space<vmem>> -> memref<50x32xf32, #tpu.memory_space<vmem>>
        %dma_start3A_959 = arith.constant 0 : i32
        %dma_start3A_960 = tpu.memref_slice %arg5[%add3A_953, %dma_start3A_959] : memref<128x50xi32, #tpu.memory_space<vmem>> -> memref<1x50xi32, #tpu.memory_space<vmem>>
        %dma_start3A_961 = tpu.memref_squeeze %dma_start3A_960 : memref<1x50xi32, #tpu.memory_space<vmem>> -> memref<50xi32, #tpu.memory_space<vmem>>
        %dma_start3A_962 = arith.constant 0 : i32
        %dma_start3A_963 = arith.constant 0 : i32
        %dma_start3A_964 = tpu.memref_slice %arg3[%dma_start3A_962, %dma_start3A_963] : memref<1000000x32xf32, #tpu.memory_space<hbm>> -> memref<1000000x32xf32, #tpu.memory_space<hbm>>
        tpu.enqueue_indirect_dma source(%dma_start3A_964 : memref<1000000x32xf32, #tpu.memory_space<hbm>>) target(%dma_start3A_958 : memref<50x32xf32, #tpu.memory_space<vmem>>) offsets(%dma_start3A_961 : memref<50xi32, #tpu.memory_space<vmem>>) semaphore(%arg9 : memref<!tpu.dma_semaphore, #tpu.memory_space<semaphore_mem>>)
        %mul3A_965 = arith.constant 16 : i32
        %mul3A_966 = arith.muli %add3A_934, %mul3A_965 : i32
        %add3A_967 = arith.constant 2 : i32
        %add3A_968 = arith.addi %mul3A_966, %add3A_967 : i32
        %dma_start3A_969 = arith.constant 2 : i32
        %dma_start3A_970 = arith.constant 0 : i32
        %dma_start3A_971 = arith.constant 0 : i32
        %dma_start3A_972 = tpu.memref_slice %arg7[%dma_start3A_969, %dma_start3A_970, %dma_start3A_971] : memref<16x50x32xf32, #tpu.memory_space<vmem>> -> memref<1x50x32xf32, #tpu.memory_space<vmem>>
        %dma_start3A_973 = tpu.memref_squeeze %dma_start3A_972 : memref<1x50x32xf32, #tpu.memory_space<vmem>> -> memref<50x32xf32, #tpu.memory_space<vmem>>
        %dma_start3A_974 = arith.constant 0 : i32
        %dma_start3A_975 = tpu.memref_slice %arg5[%add3A_968, %dma_start3A_974] : memref<128x50xi32, #tpu.memory_space<vmem>> -> memref<1x50xi32, #tpu.memory_space<vmem>>
        %dma_start3A_976 = tpu.memref_squeeze %dma_start3A_975 : memref<1x50xi32, #tpu.memory_space<vmem>> -> memref<50xi32, #tpu.memory_space<vmem>>
        %dma_start3A_977 = arith.constant 0 : i32
        %dma_start3A_978 = arith.constant 0 : i32
        %dma_start3A_979 = tpu.memref_slice %arg3[%dma_start3A_977, %dma_start3A_978] : memref<1000000x32xf32, #tpu.memory_space<hbm>> -> memref<1000000x32xf32, #tpu.memory_space<hbm>>
        tpu.enqueue_indirect_dma source(%dma_start3A_979 : memref<1000000x32xf32, #tpu.memory_space<hbm>>) target(%dma_start3A_973 : memref<50x32xf32, #tpu.memory_space<vmem>>) offsets(%dma_start3A_976 : memref<50xi32, #tpu.memory_space<vmem>>) semaphore(%arg9 : memref<!tpu.dma_semaphore, #tpu.memory_space<semaphore_mem>>)
        %mul3A_980 = arith.constant 16 : i32
        %mul3A_981 = arith.muli %add3A_934, %mul3A_980 : i32
        %add3A_982 = arith.constant 3 : i32
        %add3A_983 = arith.addi %mul3A_981, %add3A_982 : i32
        %dma_start3A_984 = arith.constant 3 : i32
        %dma_start3A_985 = arith.constant 0 : i32
        %dma_start3A_986 = arith.constant 0 : i32
        %dma_start3A_987 = tpu.memref_slice %arg7[%dma_start3A_984, %dma_start3A_985, %dma_start3A_986] : memref<16x50x32xf32, #tpu.memory_space<vmem>> -> memref<1x50x32xf32, #tpu.memory_space<vmem>>
        %dma_start3A_988 = tpu.memref_squeeze %dma_start3A_987 : memref<1x50x32xf32, #tpu.memory_space<vmem>> -> memref<50x32xf32, #tpu.memory_space<vmem>>
        %dma_start3A_989 = arith.constant 0 : i32
        %dma_start3A_990 = tpu.memref_slice %arg5[%add3A_983, %dma_start3A_989] : memref<128x50xi32, #tpu.memory_space<vmem>> -> memref<1x50xi32, #tpu.memory_space<vmem>>
        %dma_start3A_991 = tpu.memref_squeeze %dma_start3A_990 : memref<1x50xi32, #tpu.memory_space<vmem>> -> memref<50xi32, #tpu.memory_space<vmem>>
        %dma_start3A_992 = arith.constant 0 : i32
        %dma_start3A_993 = arith.constant 0 : i32
        %dma_start3A_994 = tpu.memref_slice %arg3[%dma_start3A_992, %dma_start3A_993] : memref<1000000x32xf32, #tpu.memory_space<hbm>> -> memref<1000000x32xf32, #tpu.memory_space<hbm>>
        tpu.enqueue_indirect_dma source(%dma_start3A_994 : memref<1000000x32xf32, #tpu.memory_space<hbm>>) target(%dma_start3A_988 : memref<50x32xf32, #tpu.memory_space<vmem>>) offsets(%dma_start3A_991 : memref<50xi32, #tpu.memory_space<vmem>>) semaphore(%arg9 : memref<!tpu.dma_semaphore, #tpu.memory_space<semaphore_mem>>)
        %mul3A_995 = arith.constant 16 : i32
        %mul3A_996 = arith.muli %add3A_934, %mul3A_995 : i32
        %add3A_997 = arith.constant 4 : i32
        %add3A_998 = arith.addi %mul3A_996, %add3A_997 : i32
        %dma_start3A_999 = arith.constant 4 : i32
        %dma_start3A_1000 = arith.constant 0 : i32
        %dma_start3A_1001 = arith.constant 0 : i32
        %dma_start3A_1002 = tpu.memref_slice %arg7[%dma_start3A_999, %dma_start3A_1000, %dma_start3A_1001] : memref<16x50x32xf32, #tpu.memory_space<vmem>> -> memref<1x50x32xf32, #tpu.memory_space<vmem>>
        %dma_start3A_1003 = tpu.memref_squeeze %dma_start3A_1002 : memref<1x50x32xf32, #tpu.memory_space<vmem>> -> memref<50x32xf32, #tpu.memory_space<vmem>>
        %dma_start3A_1004 = arith.constant 0 : i32
        %dma_start3A_1005 = tpu.memref_slice %arg5[%add3A_998, %dma_start3A_1004] : memref<128x50xi32, #tpu.memory_space<vmem>> -> memref<1x50xi32, #tpu.memory_space<vmem>>
        %dma_start3A_1006 = tpu.memref_squeeze %dma_start3A_1005 : memref<1x50xi32, #tpu.memory_space<vmem>> -> memref<50xi32, #tpu.memory_space<vmem>>
        %dma_start3A_1007 = arith.constant 0 : i32
        %dma_start3A_1008 = arith.constant 0 : i32
        %dma_start3A_1009 = tpu.memref_slice %arg3[%dma_start3A_1007, %dma_start3A_1008] : memref<1000000x32xf32, #tpu.memory_space<hbm>> -> memref<1000000x32xf32, #tpu.memory_space<hbm>>
        tpu.enqueue_indirect_dma source(%dma_start3A_1009 : memref<1000000x32xf32, #tpu.memory_space<hbm>>) target(%dma_start3A_1003 : memref<50x32xf32, #tpu.memory_space<vmem>>) offsets(%dma_start3A_1006 : memref<50xi32, #tpu.memory_space<vmem>>) semaphore(%arg9 : memref<!tpu.dma_semaphore, #tpu.memory_space<semaphore_mem>>)
        %mul3A_1010 = arith.constant 16 : i32
        %mul3A_1011 = arith.muli %add3A_934, %mul3A_1010 : i32
        %add3A_1012 = arith.constant 5 : i32
        %add3A_1013 = arith.addi %mul3A_1011, %add3A_1012 : i32
        %dma_start3A_1014 = arith.constant 5 : i32
        %dma_start3A_1015 = arith.constant 0 : i32
        %dma_start3A_1016 = arith.constant 0 : i32
        %dma_start3A_1017 = tpu.memref_slice %arg7[%dma_start3A_1014, %dma_start3A_1015, %dma_start3A_1016] : memref<16x50x32xf32, #tpu.memory_space<vmem>> -> memref<1x50x32xf32, #tpu.memory_space<vmem>>
        %dma_start3A_1018 = tpu.memref_squeeze %dma_start3A_1017 : memref<1x50x32xf32, #tpu.memory_space<vmem>> -> memref<50x32xf32, #tpu.memory_space<vmem>>
        %dma_start3A_1019 = arith.constant 0 : i32
        %dma_start3A_1020 = tpu.memref_slice %arg5[%add3A_1013, %dma_start3A_1019] : memref<128x50xi32, #tpu.memory_space<vmem>> -> memref<1x50xi32, #tpu.memory_space<vmem>>
        %dma_start3A_1021 = tpu.memref_squeeze %dma_start3A_1020 : memref<1x50xi32, #tpu.memory_space<vmem>> -> memref<50xi32, #tpu.memory_space<vmem>>
        %dma_start3A_1022 = arith.constant 0 : i32
        %dma_start3A_1023 = arith.constant 0 : i32
        %dma_start3A_1024 = tpu.memref_slice %arg3[%dma_start3A_1022, %dma_start3A_1023] : memref<1000000x32xf32, #tpu.memory_space<hbm>> -> memref<1000000x32xf32, #tpu.memory_space<hbm>>
        tpu.enqueue_indirect_dma source(%dma_start3A_1024 : memref<1000000x32xf32, #tpu.memory_space<hbm>>) target(%dma_start3A_1018 : memref<50x32xf32, #tpu.memory_space<vmem>>) offsets(%dma_start3A_1021 : memref<50xi32, #tpu.memory_space<vmem>>) semaphore(%arg9 : memref<!tpu.dma_semaphore, #tpu.memory_space<semaphore_mem>>)
        %mul3A_1025 = arith.constant 16 : i32
        %mul3A_1026 = arith.muli %add3A_934, %mul3A_1025 : i32
        %add3A_1027 = arith.constant 6 : i32
        %add3A_1028 = arith.addi %mul3A_1026, %add3A_1027 : i32
        %dma_start3A_1029 = arith.constant 6 : i32
        %dma_start3A_1030 = arith.constant 0 : i32
        %dma_start3A_1031 = arith.constant 0 : i32
        %dma_start3A_1032 = tpu.memref_slice %arg7[%dma_start3A_1029, %dma_start3A_1030, %dma_start3A_1031] : memref<16x50x32xf32, #tpu.memory_space<vmem>> -> memref<1x50x32xf32, #tpu.memory_space<vmem>>
        %dma_start3A_1033 = tpu.memref_squeeze %dma_start3A_1032 : memref<1x50x32xf32, #tpu.memory_space<vmem>> -> memref<50x32xf32, #tpu.memory_space<vmem>>
        %dma_start3A_1034 = arith.constant 0 : i32
        %dma_start3A_1035 = tpu.memref_slice %arg5[%add3A_1028, %dma_start3A_1034] : memref<128x50xi32, #tpu.memory_space<vmem>> -> memref<1x50xi32, #tpu.memory_space<vmem>>
        %dma_start3A_1036 = tpu.memref_squeeze %dma_start3A_1035 : memref<1x50xi32, #tpu.memory_space<vmem>> -> memref<50xi32, #tpu.memory_space<vmem>>
        %dma_start3A_1037 = arith.constant 0 : i32
        %dma_start3A_1038 = arith.constant 0 : i32
        %dma_start3A_1039 = tpu.memref_slice %arg3[%dma_start3A_1037, %dma_start3A_1038] : memref<1000000x32xf32, #tpu.memory_space<hbm>> -> memref<1000000x32xf32, #tpu.memory_space<hbm>>
        tpu.enqueue_indirect_dma source(%dma_start3A_1039 : memref<1000000x32xf32, #tpu.memory_space<hbm>>) target(%dma_start3A_1033 : memref<50x32xf32, #tpu.memory_space<vmem>>) offsets(%dma_start3A_1036 : memref<50xi32, #tpu.memory_space<vmem>>) semaphore(%arg9 : memref<!tpu.dma_semaphore, #tpu.memory_space<semaphore_mem>>)
        %mul3A_1040 = arith.constant 16 : i32
        %mul3A_1041 = arith.muli %add3A_934, %mul3A_1040 : i32
        %add3A_1042 = arith.constant 7 : i32
        %add3A_1043 = arith.addi %mul3A_1041, %add3A_1042 : i32
        %dma_start3A_1044 = arith.constant 7 : i32
        %dma_start3A_1045 = arith.constant 0 : i32
        %dma_start3A_1046 = arith.constant 0 : i32
        %dma_start3A_1047 = tpu.memref_slice %arg7[%dma_start3A_1044, %dma_start3A_1045, %dma_start3A_1046] : memref<16x50x32xf32, #tpu.memory_space<vmem>> -> memref<1x50x32xf32, #tpu.memory_space<vmem>>
        %dma_start3A_1048 = tpu.memref_squeeze %dma_start3A_1047 : memref<1x50x32xf32, #tpu.memory_space<vmem>> -> memref<50x32xf32, #tpu.memory_space<vmem>>
        %dma_start3A_1049 = arith.constant 0 : i32
        %dma_start3A_1050 = tpu.memref_slice %arg5[%add3A_1043, %dma_start3A_1049] : memref<128x50xi32, #tpu.memory_space<vmem>> -> memref<1x50xi32, #tpu.memory_space<vmem>>
        %dma_start3A_1051 = tpu.memref_squeeze %dma_start3A_1050 : memref<1x50xi32, #tpu.memory_space<vmem>> -> memref<50xi32, #tpu.memory_space<vmem>>
        %dma_start3A_1052 = arith.constant 0 : i32
        %dma_start3A_1053 = arith.constant 0 : i32
        %dma_start3A_1054 = tpu.memref_slice %arg3[%dma_start3A_1052, %dma_start3A_1053] : memref<1000000x32xf32, #tpu.memory_space<hbm>> -> memref<1000000x32xf32, #tpu.memory_space<hbm>>
        tpu.enqueue_indirect_dma source(%dma_start3A_1054 : memref<1000000x32xf32, #tpu.memory_space<hbm>>) target(%dma_start3A_1048 : memref<50x32xf32, #tpu.memory_space<vmem>>) offsets(%dma_start3A_1051 : memref<50xi32, #tpu.memory_space<vmem>>) semaphore(%arg9 : memref<!tpu.dma_semaphore, #tpu.memory_space<semaphore_mem>>)
        %mul3A_1055 = arith.constant 16 : i32
        %mul3A_1056 = arith.muli %add3A_934, %mul3A_1055 : i32
        %add3A_1057 = arith.constant 8 : i32
        %add3A_1058 = arith.addi %mul3A_1056, %add3A_1057 : i32
        %dma_start3A_1059 = arith.constant 8 : i32
        %dma_start3A_1060 = arith.constant 0 : i32
        %dma_start3A_1061 = arith.constant 0 : i32
        %dma_start3A_1062 = tpu.memref_slice %arg7[%dma_start3A_1059, %dma_start3A_1060, %dma_start3A_1061] : memref<16x50x32xf32, #tpu.memory_space<vmem>> -> memref<1x50x32xf32, #tpu.memory_space<vmem>>
        %dma_start3A_1063 = tpu.memref_squeeze %dma_start3A_1062 : memref<1x50x32xf32, #tpu.memory_space<vmem>> -> memref<50x32xf32, #tpu.memory_space<vmem>>
        %dma_start3A_1064 = arith.constant 0 : i32
        %dma_start3A_1065 = tpu.memref_slice %arg5[%add3A_1058, %dma_start3A_1064] : memref<128x50xi32, #tpu.memory_space<vmem>> -> memref<1x50xi32, #tpu.memory_space<vmem>>
        %dma_start3A_1066 = tpu.memref_squeeze %dma_start3A_1065 : memref<1x50xi32, #tpu.memory_space<vmem>> -> memref<50xi32, #tpu.memory_space<vmem>>
        %dma_start3A_1067 = arith.constant 0 : i32
        %dma_start3A_1068 = arith.constant 0 : i32
        %dma_start3A_1069 = tpu.memref_slice %arg3[%dma_start3A_1067, %dma_start3A_1068] : memref<1000000x32xf32, #tpu.memory_space<hbm>> -> memref<1000000x32xf32, #tpu.memory_space<hbm>>
        tpu.enqueue_indirect_dma source(%dma_start3A_1069 : memref<1000000x32xf32, #tpu.memory_space<hbm>>) target(%dma_start3A_1063 : memref<50x32xf32, #tpu.memory_space<vmem>>) offsets(%dma_start3A_1066 : memref<50xi32, #tpu.memory_space<vmem>>) semaphore(%arg9 : memref<!tpu.dma_semaphore, #tpu.memory_space<semaphore_mem>>)
        %mul3A_1070 = arith.constant 16 : i32
        %mul3A_1071 = arith.muli %add3A_934, %mul3A_1070 : i32
        %add3A_1072 = arith.constant 9 : i32
        %add3A_1073 = arith.addi %mul3A_1071, %add3A_1072 : i32
        %dma_start3A_1074 = arith.constant 9 : i32
        %dma_start3A_1075 = arith.constant 0 : i32
        %dma_start3A_1076 = arith.constant 0 : i32
        %dma_start3A_1077 = tpu.memref_slice %arg7[%dma_start3A_1074, %dma_start3A_1075, %dma_start3A_1076] : memref<16x50x32xf32, #tpu.memory_space<vmem>> -> memref<1x50x32xf32, #tpu.memory_space<vmem>>
        %dma_start3A_1078 = tpu.memref_squeeze %dma_start3A_1077 : memref<1x50x32xf32, #tpu.memory_space<vmem>> -> memref<50x32xf32, #tpu.memory_space<vmem>>
        %dma_start3A_1079 = arith.constant 0 : i32
        %dma_start3A_1080 = tpu.memref_slice %arg5[%add3A_1073, %dma_start3A_1079] : memref<128x50xi32, #tpu.memory_space<vmem>> -> memref<1x50xi32, #tpu.memory_space<vmem>>
        %dma_start3A_1081 = tpu.memref_squeeze %dma_start3A_1080 : memref<1x50xi32, #tpu.memory_space<vmem>> -> memref<50xi32, #tpu.memory_space<vmem>>
        %dma_start3A_1082 = arith.constant 0 : i32
        %dma_start3A_1083 = arith.constant 0 : i32
        %dma_start3A_1084 = tpu.memref_slice %arg3[%dma_start3A_1082, %dma_start3A_1083] : memref<1000000x32xf32, #tpu.memory_space<hbm>> -> memref<1000000x32xf32, #tpu.memory_space<hbm>>
        tpu.enqueue_indirect_dma source(%dma_start3A_1084 : memref<1000000x32xf32, #tpu.memory_space<hbm>>) target(%dma_start3A_1078 : memref<50x32xf32, #tpu.memory_space<vmem>>) offsets(%dma_start3A_1081 : memref<50xi32, #tpu.memory_space<vmem>>) semaphore(%arg9 : memref<!tpu.dma_semaphore, #tpu.memory_space<semaphore_mem>>)
        %mul3A_1085 = arith.constant 16 : i32
        %mul3A_1086 = arith.muli %add3A_934, %mul3A_1085 : i32
        %add3A_1087 = arith.constant 10 : i32
        %add3A_1088 = arith.addi %mul3A_1086, %add3A_1087 : i32
        %dma_start3A_1089 = arith.constant 10 : i32
        %dma_start3A_1090 = arith.constant 0 : i32
        %dma_start3A_1091 = arith.constant 0 : i32
        %dma_start3A_1092 = tpu.memref_slice %arg7[%dma_start3A_1089, %dma_start3A_1090, %dma_start3A_1091] : memref<16x50x32xf32, #tpu.memory_space<vmem>> -> memref<1x50x32xf32, #tpu.memory_space<vmem>>
        %dma_start3A_1093 = tpu.memref_squeeze %dma_start3A_1092 : memref<1x50x32xf32, #tpu.memory_space<vmem>> -> memref<50x32xf32, #tpu.memory_space<vmem>>
        %dma_start3A_1094 = arith.constant 0 : i32
        %dma_start3A_1095 = tpu.memref_slice %arg5[%add3A_1088, %dma_start3A_1094] : memref<128x50xi32, #tpu.memory_space<vmem>> -> memref<1x50xi32, #tpu.memory_space<vmem>>
        %dma_start3A_1096 = tpu.memref_squeeze %dma_start3A_1095 : memref<1x50xi32, #tpu.memory_space<vmem>> -> memref<50xi32, #tpu.memory_space<vmem>>
        %dma_start3A_1097 = arith.constant 0 : i32
        %dma_start3A_1098 = arith.constant 0 : i32
        %dma_start3A_1099 = tpu.memref_slice %arg3[%dma_start3A_1097, %dma_start3A_1098] : memref<1000000x32xf32, #tpu.memory_space<hbm>> -> memref<1000000x32xf32, #tpu.memory_space<hbm>>
        tpu.enqueue_indirect_dma source(%dma_start3A_1099 : memref<1000000x32xf32, #tpu.memory_space<hbm>>) target(%dma_start3A_1093 : memref<50x32xf32, #tpu.memory_space<vmem>>) offsets(%dma_start3A_1096 : memref<50xi32, #tpu.memory_space<vmem>>) semaphore(%arg9 : memref<!tpu.dma_semaphore, #tpu.memory_space<semaphore_mem>>)
        %mul3A_1100 = arith.constant 16 : i32
        %mul3A_1101 = arith.muli %add3A_934, %mul3A_1100 : i32
        %add3A_1102 = arith.constant 11 : i32
        %add3A_1103 = arith.addi %mul3A_1101, %add3A_1102 : i32
        %dma_start3A_1104 = arith.constant 11 : i32
        %dma_start3A_1105 = arith.constant 0 : i32
        %dma_start3A_1106 = arith.constant 0 : i32
        %dma_start3A_1107 = tpu.memref_slice %arg7[%dma_start3A_1104, %dma_start3A_1105, %dma_start3A_1106] : memref<16x50x32xf32, #tpu.memory_space<vmem>> -> memref<1x50x32xf32, #tpu.memory_space<vmem>>
        %dma_start3A_1108 = tpu.memref_squeeze %dma_start3A_1107 : memref<1x50x32xf32, #tpu.memory_space<vmem>> -> memref<50x32xf32, #tpu.memory_space<vmem>>
        %dma_start3A_1109 = arith.constant 0 : i32
        %dma_start3A_1110 = tpu.memref_slice %arg5[%add3A_1103, %dma_start3A_1109] : memref<128x50xi32, #tpu.memory_space<vmem>> -> memref<1x50xi32, #tpu.memory_space<vmem>>
        %dma_start3A_1111 = tpu.memref_squeeze %dma_start3A_1110 : memref<1x50xi32, #tpu.memory_space<vmem>> -> memref<50xi32, #tpu.memory_space<vmem>>
        %dma_start3A_1112 = arith.constant 0 : i32
        %dma_start3A_1113 = arith.constant 0 : i32
        %dma_start3A_1114 = tpu.memref_slice %arg3[%dma_start3A_1112, %dma_start3A_1113] : memref<1000000x32xf32, #tpu.memory_space<hbm>> -> memref<1000000x32xf32, #tpu.memory_space<hbm>>
        tpu.enqueue_indirect_dma source(%dma_start3A_1114 : memref<1000000x32xf32, #tpu.memory_space<hbm>>) target(%dma_start3A_1108 : memref<50x32xf32, #tpu.memory_space<vmem>>) offsets(%dma_start3A_1111 : memref<50xi32, #tpu.memory_space<vmem>>) semaphore(%arg9 : memref<!tpu.dma_semaphore, #tpu.memory_space<semaphore_mem>>)
        %mul3A_1115 = arith.constant 16 : i32
        %mul3A_1116 = arith.muli %add3A_934, %mul3A_1115 : i32
        %add3A_1117 = arith.constant 12 : i32
        %add3A_1118 = arith.addi %mul3A_1116, %add3A_1117 : i32
        %dma_start3A_1119 = arith.constant 12 : i32
        %dma_start3A_1120 = arith.constant 0 : i32
        %dma_start3A_1121 = arith.constant 0 : i32
        %dma_start3A_1122 = tpu.memref_slice %arg7[%dma_start3A_1119, %dma_start3A_1120, %dma_start3A_1121] : memref<16x50x32xf32, #tpu.memory_space<vmem>> -> memref<1x50x32xf32, #tpu.memory_space<vmem>>
        %dma_start3A_1123 = tpu.memref_squeeze %dma_start3A_1122 : memref<1x50x32xf32, #tpu.memory_space<vmem>> -> memref<50x32xf32, #tpu.memory_space<vmem>>
        %dma_start3A_1124 = arith.constant 0 : i32
        %dma_start3A_1125 = tpu.memref_slice %arg5[%add3A_1118, %dma_start3A_1124] : memref<128x50xi32, #tpu.memory_space<vmem>> -> memref<1x50xi32, #tpu.memory_space<vmem>>
        %dma_start3A_1126 = tpu.memref_squeeze %dma_start3A_1125 : memref<1x50xi32, #tpu.memory_space<vmem>> -> memref<50xi32, #tpu.memory_space<vmem>>
        %dma_start3A_1127 = arith.constant 0 : i32
        %dma_start3A_1128 = arith.constant 0 : i32
        %dma_start3A_1129 = tpu.memref_slice %arg3[%dma_start3A_1127, %dma_start3A_1128] : memref<1000000x32xf32, #tpu.memory_space<hbm>> -> memref<1000000x32xf32, #tpu.memory_space<hbm>>
        tpu.enqueue_indirect_dma source(%dma_start3A_1129 : memref<1000000x32xf32, #tpu.memory_space<hbm>>) target(%dma_start3A_1123 : memref<50x32xf32, #tpu.memory_space<vmem>>) offsets(%dma_start3A_1126 : memref<50xi32, #tpu.memory_space<vmem>>) semaphore(%arg9 : memref<!tpu.dma_semaphore, #tpu.memory_space<semaphore_mem>>)
        %mul3A_1130 = arith.constant 16 : i32
        %mul3A_1131 = arith.muli %add3A_934, %mul3A_1130 : i32
        %add3A_1132 = arith.constant 13 : i32
        %add3A_1133 = arith.addi %mul3A_1131, %add3A_1132 : i32
        %dma_start3A_1134 = arith.constant 13 : i32
        %dma_start3A_1135 = arith.constant 0 : i32
        %dma_start3A_1136 = arith.constant 0 : i32
        %dma_start3A_1137 = tpu.memref_slice %arg7[%dma_start3A_1134, %dma_start3A_1135, %dma_start3A_1136] : memref<16x50x32xf32, #tpu.memory_space<vmem>> -> memref<1x50x32xf32, #tpu.memory_space<vmem>>
        %dma_start3A_1138 = tpu.memref_squeeze %dma_start3A_1137 : memref<1x50x32xf32, #tpu.memory_space<vmem>> -> memref<50x32xf32, #tpu.memory_space<vmem>>
        %dma_start3A_1139 = arith.constant 0 : i32
        %dma_start3A_1140 = tpu.memref_slice %arg5[%add3A_1133, %dma_start3A_1139] : memref<128x50xi32, #tpu.memory_space<vmem>> -> memref<1x50xi32, #tpu.memory_space<vmem>>
        %dma_start3A_1141 = tpu.memref_squeeze %dma_start3A_1140 : memref<1x50xi32, #tpu.memory_space<vmem>> -> memref<50xi32, #tpu.memory_space<vmem>>
        %dma_start3A_1142 = arith.constant 0 : i32
        %dma_start3A_1143 = arith.constant 0 : i32
        %dma_start3A_1144 = tpu.memref_slice %arg3[%dma_start3A_1142, %dma_start3A_1143] : memref<1000000x32xf32, #tpu.memory_space<hbm>> -> memref<1000000x32xf32, #tpu.memory_space<hbm>>
        tpu.enqueue_indirect_dma source(%dma_start3A_1144 : memref<1000000x32xf32, #tpu.memory_space<hbm>>) target(%dma_start3A_1138 : memref<50x32xf32, #tpu.memory_space<vmem>>) offsets(%dma_start3A_1141 : memref<50xi32, #tpu.memory_space<vmem>>) semaphore(%arg9 : memref<!tpu.dma_semaphore, #tpu.memory_space<semaphore_mem>>)
        %mul3A_1145 = arith.constant 16 : i32
        %mul3A_1146 = arith.muli %add3A_934, %mul3A_1145 : i32
        %add3A_1147 = arith.constant 14 : i32
        %add3A_1148 = arith.addi %mul3A_1146, %add3A_1147 : i32
        %dma_start3A_1149 = arith.constant 14 : i32
        %dma_start3A_1150 = arith.constant 0 : i32
        %dma_start3A_1151 = arith.constant 0 : i32
        %dma_start3A_1152 = tpu.memref_slice %arg7[%dma_start3A_1149, %dma_start3A_1150, %dma_start3A_1151] : memref<16x50x32xf32, #tpu.memory_space<vmem>> -> memref<1x50x32xf32, #tpu.memory_space<vmem>>
        %dma_start3A_1153 = tpu.memref_squeeze %dma_start3A_1152 : memref<1x50x32xf32, #tpu.memory_space<vmem>> -> memref<50x32xf32, #tpu.memory_space<vmem>>
        %dma_start3A_1154 = arith.constant 0 : i32
        %dma_start3A_1155 = tpu.memref_slice %arg5[%add3A_1148, %dma_start3A_1154] : memref<128x50xi32, #tpu.memory_space<vmem>> -> memref<1x50xi32, #tpu.memory_space<vmem>>
        %dma_start3A_1156 = tpu.memref_squeeze %dma_start3A_1155 : memref<1x50xi32, #tpu.memory_space<vmem>> -> memref<50xi32, #tpu.memory_space<vmem>>
        %dma_start3A_1157 = arith.constant 0 : i32
        %dma_start3A_1158 = arith.constant 0 : i32
        %dma_start3A_1159 = tpu.memref_slice %arg3[%dma_start3A_1157, %dma_start3A_1158] : memref<1000000x32xf32, #tpu.memory_space<hbm>> -> memref<1000000x32xf32, #tpu.memory_space<hbm>>
        tpu.enqueue_indirect_dma source(%dma_start3A_1159 : memref<1000000x32xf32, #tpu.memory_space<hbm>>) target(%dma_start3A_1153 : memref<50x32xf32, #tpu.memory_space<vmem>>) offsets(%dma_start3A_1156 : memref<50xi32, #tpu.memory_space<vmem>>) semaphore(%arg9 : memref<!tpu.dma_semaphore, #tpu.memory_space<semaphore_mem>>)
        %mul3A_1160 = arith.constant 16 : i32
        %mul3A_1161 = arith.muli %add3A_934, %mul3A_1160 : i32
        %add3A_1162 = arith.constant 15 : i32
        %add3A_1163 = arith.addi %mul3A_1161, %add3A_1162 : i32
        %dma_start3A_1164 = arith.constant 15 : i32
        %dma_start3A_1165 = arith.constant 0 : i32
        %dma_start3A_1166 = arith.constant 0 : i32
        %dma_start3A_1167 = tpu.memref_slice %arg7[%dma_start3A_1164, %dma_start3A_1165, %dma_start3A_1166] : memref<16x50x32xf32, #tpu.memory_space<vmem>> -> memref<1x50x32xf32, #tpu.memory_space<vmem>>
        %dma_start3A_1168 = tpu.memref_squeeze %dma_start3A_1167 : memref<1x50x32xf32, #tpu.memory_space<vmem>> -> memref<50x32xf32, #tpu.memory_space<vmem>>
        %dma_start3A_1169 = arith.constant 0 : i32
        %dma_start3A_1170 = tpu.memref_slice %arg5[%add3A_1163, %dma_start3A_1169] : memref<128x50xi32, #tpu.memory_space<vmem>> -> memref<1x50xi32, #tpu.memory_space<vmem>>
        %dma_start3A_1171 = tpu.memref_squeeze %dma_start3A_1170 : memref<1x50xi32, #tpu.memory_space<vmem>> -> memref<50xi32, #tpu.memory_space<vmem>>
        %dma_start3A_1172 = arith.constant 0 : i32
        %dma_start3A_1173 = arith.constant 0 : i32
        %dma_start3A_1174 = tpu.memref_slice %arg3[%dma_start3A_1172, %dma_start3A_1173] : memref<1000000x32xf32, #tpu.memory_space<hbm>> -> memref<1000000x32xf32, #tpu.memory_space<hbm>>
        tpu.enqueue_indirect_dma source(%dma_start3A_1174 : memref<1000000x32xf32, #tpu.memory_space<hbm>>) target(%dma_start3A_1168 : memref<50x32xf32, #tpu.memory_space<vmem>>) offsets(%dma_start3A_1171 : memref<50xi32, #tpu.memory_space<vmem>>) semaphore(%arg9 : memref<!tpu.dma_semaphore, #tpu.memory_space<semaphore_mem>>)
      } else {
      }
    }
    %scan3A_390 = arith.constant 4 : i32
    %add3A_391 = arith.constant 96 : i32
    %add3A_392 = arith.addi %mul3A_2, %add3A_391 : i32
    %dma_wait3A = arith.constant 0 : i32
    %dma_wait3A_393 = arith.constant 0 : i32
    %dma_wait3A_394 = tpu.memref_slice %arg4[%add3A_392, %dma_wait3A, %dma_wait3A_393] : memref<4096x50x32xf32, #tpu.memory_space<hbm>> -> memref<16x50x32xf32, #tpu.memory_space<hbm>>
    %dma_wait3A_395 = arith.constant 0 : i32
    %dma_wait3A_396 = arith.constant 0 : i32
    %dma_wait3A_397 = tpu.memref_slice %arg4[%add3A_392, %dma_wait3A_395, %dma_wait3A_396] : memref<4096x50x32xf32, #tpu.memory_space<hbm>> -> memref<16x50x32xf32, #tpu.memory_space<hbm>>
    tpu.wait_dma2 semaphore(%arg10 : memref<!tpu.dma_semaphore, #tpu.memory_space<semaphore_mem>>) src(%arg6 : memref<16x50x32xf32, #tpu.memory_space<vmem>>) dst(%dma_wait3A_397 : memref<16x50x32xf32, #tpu.memory_space<hbm>>)
    %add3A_398 = arith.constant 112 : i32
    %add3A_399 = arith.addi %mul3A_2, %add3A_398 : i32
    %dma_wait3A_400 = arith.constant 0 : i32
    %dma_wait3A_401 = arith.constant 0 : i32
    %dma_wait3A_402 = tpu.memref_slice %arg4[%add3A_399, %dma_wait3A_400, %dma_wait3A_401] : memref<4096x50x32xf32, #tpu.memory_space<hbm>> -> memref<16x50x32xf32, #tpu.memory_space<hbm>>
    %dma_wait3A_403 = arith.constant 0 : i32
    %dma_wait3A_404 = arith.constant 0 : i32
    %dma_wait3A_405 = tpu.memref_slice %arg4[%add3A_399, %dma_wait3A_403, %dma_wait3A_404] : memref<4096x50x32xf32, #tpu.memory_space<hbm>> -> memref<16x50x32xf32, #tpu.memory_space<hbm>>
    tpu.wait_dma2 semaphore(%arg11 : memref<!tpu.dma_semaphore, #tpu.memory_space<semaphore_mem>>) src(%arg7 : memref<16x50x32xf32, #tpu.memory_space<vmem>>) dst(%dma_wait3A_405 : memref<16x50x32xf32, #tpu.memory_space<hbm>>)
    return
  }
}

</mosaic_0001>

<sc_bundles>
// kernel: kernel.3.cloned.1.call-start
scs
__scs_entry_jumppad:
0x0: {  	(pc) =	sbr.rel $0x88, $3  }
0x1: {  	(tag) =	ssettag $0x0;
	lr =	simm.s32 $0x1  }
0x2: {  	[smem:$0x3F9F] =	sst lr;
	_ =	strace $0xD0000000  }
0x3: {  	_ = 	snop  }
0x4: {  	_ = 	snop  }
0x5: {  	_ = 	snop  }
0x6: {  	_ = 	snop  }
0x7: {  	_ = 	snop  }
__scs_overlays_trampoline_lowered:
0x8: {  	[smem:$0x3FAE] =	sst s0  }
0x9: {  	[smem:$0x3FAF] =	sst s1  }
0xa: {  	[smem:$0x3FB0] =	sst s2  }
0xb: {  	[smem:$0x3FB1] =	sst s3  }
0xc: {  	[smem:$0x3FB2] =	sst s4  }
0xd: {  	[smem:$0x3FB3] =	sst s5  }
0xe: {  	[smem:$0x3FB4] =	sst s6  }
0xf: {  	[smem:$0x3FB5] =	sst s7  }
0x10: {  	[smem:$0x3FB6] =	sst s8  }
0x11: {  	[smem:$0x3FB7] =	sst s9;
	s0 =	simm.s32 @!p0 $0x0  }
0x12: {  	s1 =	sld [smem:$0x3F9D];
	s0 =	simm.s32 @p0 $0x1  }
0x13: {  	[smem:$0x3FB8] =	sst s0;
	s0 =	simm.s32 @!p1 $0x0  }
0x14: {  	s2 =	sld [smem:$0x3F9C];
	s0 =	simm.s32 @p1 $0x1  }
0x15: {  	[smem:$0x3FB9] =	sst s0;
	s0 =	simm.s32 @!p2 $0x0  }
0x16: {  	s3 =	sld [smem:$0x3FDB];
	s0 =	simm.s32 @p2 $0x1  }
0x17: {  	s4 =	simm.s32 $0x1BF5;
	[smem:$0x3FBB] =	sst s0  }
0x18: {  	s0 =	sld [smem:$0x3F9E];
	_ =	swait.ge [sflag:s4], $0x0  }
0x19: {  	s7 =	sld [smem:$0x3F9F]  }
0x1a: {  	s8 =	sadd.s32 $0xFFFFE003, lr  }
0x1b: {  	s9 =	sadd.s32 $0xFFFFFEF7, lr;
	s5 =	simm.s32 $0xFFFFFFFF;
	p2 =	slt.u32 s8, $0xFFFFF086  }
0x1c: {  	p1 =	slt.u32 s9, $0xF7A;
	s5 =	simm.s32 @!p2 $0x0  }
0x1d: {  	s5 =	simm.s32 @p1 $0x1;
	p0 =	seq.s32 s7, s2  }
0x1e: {  	s7 =	smul.u32 @!p0 $0xF7A, s2;
	p2 =	seq.s32 @!p0 s5, $0x0  }
0x1f: {  	s9 =	smul.u32 $0xF7A, s1;
	s8 =	simm.s32 @!p0 $0x1BF5;
	p2 =	por !p2, p0  }
0x20: {  	[sflag:s8] =	ssyncset.s32 @!p0 $0xFFFFF086;
	s6 =	sadd.s32 @!p0 s3, s7;
	s7 =	simm.s32 @!p0 $0x108  }
0x21: {  	s3 =	sadd.s32 s3, s9;
	s6 =	sadd.s32 @!p0 $0x88, s6;
	s7 =	simm.s32 @p2 $0x1082  }
0x22: {  	[simem:s7], [sflag:s8] =	dma.local @!p0 [hbm:s6], $0xF7A  }
0x23: {  	s9 =	sor.u32 $0xD0000000, s2;
	s6 =	simm.s32 $0x108;
	_ =	swait.ge @!p0 [sflag:s8], $0x0  }
0x24: {  	s3 =	sadd.s32 $0x88, s3;
	s6 =	simm.s32 @!p1 $0x1082;
	[sflag:s4] =	ssyncset.s32 $0xFFFFF086  }
0x25: {  	[simem:s6], [sflag:s4] =	dma.local [hbm:s3], $0xF7A  }
0x26: {  	[smem:$0x3F9F] =	sst s1;
	(tag) =	ssettag s2;
	_ =	strace s9  }
0x27: {  	s1 =	sld [smem:$0x3FAF]  }
0x28: {  	s2 =	sld [smem:$0x3FB0]  }
0x29: {  	s4 =	sld [smem:$0x3FB2]  }
0x2a: {  	p0 =	seq.s32 s5, $0x0;
	s5 =	sld [smem:$0x3FB3]  }
0x2b: {  	s6 =	sld [smem:$0x3FB4]  }
0x2c: {  	s7 =	sld [smem:$0x3FB5]  }
0x2d: {  	s3 =	simm.s32 $0x108;
	s8 =	sld [smem:$0x3FB6]  }
0x2e: {  	s3 =	simm.s32 @!p0 $0x1082;
	s9 =	sld [smem:$0x3FB7]  }
0x2f: {  	lr =	sadd.s32 s0, s3;
	s0 =	sld [smem:$0x3FAE]  }
0x30: {  	s3 =	sld [smem:$0x3FB1]  }
0x31: {  	[smem:$0x3FBA] =	sst s10  }
0x32: {  	s10 =	sld [smem:$0x3FB8];
	_ =	sdelay $0x3  }
0x33: {  	p0 =	seq.s32 s10, $0x1;
	s10 =	sld [smem:$0x3FBA];
	_ =	sdelay $0x3  }
0x34: {  	[smem:$0x3FBA] =	sst s10  }
0x35: {  	s10 =	sld [smem:$0x3FB9];
	_ =	sdelay $0x3  }
0x36: {  	p1 =	seq.s32 s10, $0x1;
	s10 =	sld [smem:$0x3FBA];
	_ =	sdelay $0x3  }
0x37: {  	[smem:$0x3FBA] =	sst s10  }
0x38: {  	s10 =	sld [smem:$0x3FBB]  }
0x39: {  	_ = 	snop;
	(pc) =	sbr.ind lr, $3  }
0x3a: {  	_ = 	snop  }
0x3b: {  	_ = 	snop  }
0x3c: {  	p2 =	seq.s32 s10, $0x1;
	s10 =	sld [smem:$0x3FBA]  }
0x3d: {  	_ =	shalt  }
0x3e: {  	_ =	shalt  }
0x3f: {  	_ =	shalt  }
0x40: {  	_ =	shalt  }
0x41: {  	_ =	shalt  }
0x42: {  	_ =	shalt  }
0x43: {  	_ =	shalt  }
0x44: {  	_ =	shalt  }
0x45: {  	_ =	shalt  }
0x46: {  	_ =	shalt  }
0x47: {  	_ =	shalt  }
0x48: {  	_ =	shalt  }
0x49: {  	_ =	shalt  }
0x4a: {  	_ =	shalt  }
0x4b: {  	_ =	shalt  }
0x4c: {  	_ =	shalt  }
0x4d: {  	_ =	shalt  }
0x4e: {  	_ =	shalt  }
0x4f: {  	_ =	shalt  }
0x50: {  	_ =	shalt  }
0x51: {  	_ =	shalt  }
0x52: {  	_ =	shalt  }
0x53: {  	_ =	shalt  }
0x54: {  	_ =	shalt  }
0x55: {  	_ =	shalt  }
0x56: {  	_ =	shalt  }
0x57: {  	_ =	shalt  }
0x58: {  	_ =	shalt  }
0x59: {  	_ =	shalt  }
0x5a: {  	_ =	shalt  }
0x5b: {  	_ =	shalt  }
0x5c: {  	_ =	shalt  }
0x5d: {  	_ =	shalt  }
0x5e: {  	_ =	shalt  }
0x5f: {  	_ =	shalt  }
0x60: {  	_ =	shalt  }
0x61: {  	_ =	shalt  }
0x62: {  	_ =	shalt  }
0x63: {  	_ =	shalt  }
0x64: {  	_ =	shalt  }
0x65: {  	_ =	shalt  }
0x66: {  	_ =	shalt  }
0x67: {  	_ =	shalt  }
0x68: {  	_ =	shalt  }
0x69: {  	_ =	shalt  }
0x6a: {  	_ =	shalt  }
0x6b: {  	_ =	shalt  }
0x6c: {  	_ =	shalt  }
0x6d: {  	_ =	shalt  }
0x6e: {  	_ =	shalt  }
0x6f: {  	_ =	shalt  }
0x70: {  	_ =	shalt  }
0x71: {  	_ =	shalt  }
0x72: {  	_ =	shalt  }
0x73: {  	_ =	shalt  }
0x74: {  	_ =	shalt  }
0x75: {  	_ =	shalt  }
0x76: {  	_ =	shalt  }
0x77: {  	_ =	shalt  }
0x78: {  	_ =	shalt  }
0x79: {  	_ =	shalt  }
0x7a: {  	_ =	shalt  }
0x7b: {  	_ =	shalt  }
0x7c: {  	_ =	shalt  }
0x7d: {  	_ =	shalt  }
0x7e: {  	_ =	shalt  }
0x7f: {  	_ =	shalt  }
0x80: {  	_ =	shalt  }
0x81: {  	_ =	shalt  }
0x82: {  	_ =	shalt  }
0x83: {  	_ =	shalt  }
0x84: {  	_ =	shalt  }
0x85: {  	_ =	shalt  }
0x86: {  	_ =	shalt  }
0x87: {  	_ =	shalt  }
.Lfunc_end0:
.L_simem_size_0:
called_computation_lowered:
.L_overlay_start_0:
0x88: {  	s2 =	sld [smem:$0x3FD9]  }
0x89: {  	s3 =	sld [smem:$0x3FFE];
	_ =	sdelay $0x1  }
0x8a: {  	s1 =	srdreg.scid  }
0x8b: {  	s0 =	sand.u32 $0x1, s1  }
0x8c: {  	s17 =	sshll.u32 s0, $0xA;
	s2 =	sadd.s32 s3, s2  }
0x8d: {  	s2 =	sadd.s32 s2, s17  }
0x8e: {  	[smem:$0x3FC6] =	sst s2  }
0x8f: {  	_ = 	snop  }
0x90: {  	s2 =	sld [smem:$0x3FD0];
	(tm) =	ssettm $0x1  }
0x91: {  	s18 =	sld [smem:$0x3FFB];
	_ =	sdelay $0x3  }
0x92: {  	_ =	strace s18  }
0x93: {  	s3 =	sld [smem:$0x3FFC];
	_ =	sdelay $0x3  }
0x94: {  	_ =	strace s3  }
0x95: {  	s3 =	sld [smem:$0x3FFD];
	_ =	sdelay $0x3  }
0x96: {  	_ =	strace s3  }
0x97: {  	_ =	strace $0x8FFFFFFF  }
0x98: {  	s19 =	sld [smem:$0x3FDB];
	_ =	sdelay $0x1  }
0x99: {  	s4 =	simm.s32 $_scs_section_size  }
0x9a: {  	s5 =	simm.s32 $_size__tile_overlayer_lowered;
	s6 =	simm.s32 $_tile_overlayer_lowered  }
0x9b: {  	s22 =	simm.s32 $0x1BFF;
	s21 =	sshll.u32 s6, $0x1;
	s3 =	sadd.s32 s4, s19  }
0x9c: {  	s7 =	simm.s32 $0x0;
	s20 =	sshll.u32 s5, $0x1;
	s5 =	sadd.s32 s21, s3  }
0x9d: {  	[timem:s7], [sflag:s22] =	dma.local [hbm:s5], s20  }
0x9e: {  	_ =	swait.ge [sflag:s22], s20  }
0x9f: {  	s4 =	ssub.s32 $0x0, s20;
	[sflag:s22] =	ssyncset.done $0x0  }
0xa0: {  	[sflag:s22] =	ssyncadd.s32 s4;
	_ =	sdelay $0x1  }
0xa1: {  	s23 =	simm.s32 $0x1B8B  }
0xa2: {  	_ =	swait.ge [sflag:s23], $0x1  }
0xa3: {  	[sflag:s23] =	ssyncset.done $0x0  }
0xa4: {  	s25 =	simm.s32 $0x1B8E;
	s24 =	sld [smem:$0x3FFE];
	[sflag:s23] =	ssyncadd.s32 $0xFFFFFFFF  }
0xa5: {  	s26 =	simm.s32 $execute0_lowered;
	[smem:$0x3FD2] =	sst s25  }
0xa6: {  	s5 =	sshll.u32 s26, $0x1;
	_ =	strace $0x80000046;
	[dreg:$0x1] =	wrdreg $0xFFFFFFFF  }
0xa7: {  	s28 =	simm.s32 $_size_execute0_lowered;
	s3 =	sadd.s32 s3, s5;
	[dreg:$0x0] =	wrdreg $0x0  }
0xa8: {  	s5 =	sshll.u32 s28, $0x1;
	[dreg:$0x2] =	wrdreg s3  }
0xa9: {  	[dreg:$0x3] =	wrdreg s5  }
0xaa: {  	[dreg:$0x4] =	wrdreg $0xC0  }
0xab: {  	_ =	task [dreg:s7], $0x5FFFF  }
0xac: {  	[dreg:$0x1] =	wrdreg $0xFFFFFFFF  }
0xad: {  	[dreg:$0x0] =	wrdreg $0x60  }
0xae: {  	[dreg:$0x2] =	wrdreg s24  }
0xaf: {  	[dreg:$0x3] =	wrdreg s2  }
0xb0: {  	[dreg:$0x4] =	wrdreg $0x9  }
0xb1: {  	_ =	task.clear_ibuf [dreg:s7], $0x5FFFF;
	_ =	strace $0x90000046  }
0xb2: {  	s29 =	simm.s32 $0x9;
	_ =	strace $0x80000048  }
0xb3: {  	_ =	swait.ge [sflag:s29], $0x1  }
0xb4: {  	[sflag:s29] =	ssyncadd.s32 $0xFFFFFFFF  }
0xb5: {  	_ =	strace $0x90000048  }
0xb6: {  	_ =	sfence  }
0xb7: {  	s30 =	sld [smem:$0x0];
	_ =	sdelay $0x2  }
0xb8: {  	s31 =	sshll.u32 s1, $0xD;
	s1 =	sshrl.u32 s1, $0x2  }
0xb9: {  	s3 =	sand.u32 $0x4000, s31;
	s1 =	sadd.s32 s1, s30  }
0xba: {  	s0 =	sor.u32 s3, s0;
	s1 =	sshll.u32 s1, $0x11  }
0xbb: {  	s0 =	sor.u32 s1, s0  }
0xbc: {  	s0 =	sadd.s32 $0x8F2B, s0  }
0xbd: {  	[sflag:s0] =	ssyncadd.remote.s32 $0x1  }
0xbe: {  	_ =	sfence.sel $0xFFFF  }
0xbf: {  	[dreg:$0x0] =	wrdreg $0xFFFFFFFF;
	(pc) =	sbr.abs _section_cstart, $3  }
0xc0: {  	[dreg:$0x1] =	wrdreg $0xFFFFFFFF  }
0xc1: {  	_ =	task.clear_ibuf [dreg:s7], $0x2FFFF;
	_ =	strace $0x9FFFFFFF  }
0xc2: {  	(tm) =	ssettm $0x7FFFFFFF  }
0xc3: {  	_ =	shalt  }
tec
execute0_lowered:
.L_overlay_start_1:
0x0: {  	(tag) =	ssettag $0x1  }
0x1: {  	s0 =	srdreg.scid;
	s1 =	rddreg [dreg:$0x0]  }
0x2: {  	s7 =	stileid.u32;
	s5 =	rddreg [dreg:$0x1];
	s2 =	simm.s32 $0x0  }
0x3: {  	s8 =	simm.s32 $0x32;
	s9 =	simm.s32 $0x1C00;
	s18 =	simm.s32 $0x8000  }
0x4: {  	s20 =	simm.s32 $0x8640;
	s22 =	simm.s32 $0x8C80;
	s24 =	simm.s32 $0x92C0  }
0x5: {  	s29 =	simm.s32 $0x9F40;
	s31 =	simm.s32 $0xA580;
	s11 =	simm.s32 $0xB200  }
0x6: {  	s13 =	simm.s32 $0xB840;
	s15 =	simm.s32 $0xBE80;
	s17 =	simm.s32 $0xC4C0  }
0x7: {  	s21 =	simm.s32 $0xCB00;
	s30 =	simm.s32 $0xD780;
	s10 =	simm.s32 $0xDDC0  }
0x8: {  	s12 =	simm.s32 $0x1;
	s14 =	simm.s32 $0x2;
	s16 =	simm.s32 $0x3  }
0x9: {  	s19 =	simm.s32 $0x4;
	s23 =	simm.s32 $0x0;
	s0 =	sand.u32 $0x1, s0  }
0xa: {  	s3 =	sshll.u32 s7, $0x8;
	s7 =	smul.u32 $0xC800, s7;
	s4 =	sshll.u32 s0, $0x7  }
0xb: {  	s6 =	ssub.s32 $0x2, s0;
	s0 =	smul.u32 $0x6400, s0;
	s3 =	sor.u32 s4, s3  }
0xc: {  	[smem:$0x7FF] =	sst s2;
	s28 =	sadd.s32 s7, s5;
	s3 =	smul.u32 $0x7, s3  }
.Ltmp0:
0xd: {  	_ =	strace $0x80000047;
	s0 =	sadd.s32 s0, s28;
	(pc) =	sbr.rel .LBB2_1-.Ltmp0, $4  }
0xe: {  	s26 =	sshrl.u32 s6, $0x1;
	[dreg:$0x5] =	wrdreg s0;
	s25 =	sadd.s32 s3, s1  }
0xf: {  	s3 =	sadd.s32 $0xF42A00, s1;
	s1 =	ssub.s32 s6, s26;
	s4 =	sadd.s32 $0x600, s25  }
0x10: {  	s0 =	simm.s32 $0xABC0;
	s1 =	smax.u32 s1, $0x1;
	[dreg:$0x3] =	wrdreg s4  }
0x11: {  	s26 =	simm.s32 $0x9900;
	s25 =	simm.s32 $0xD140;
	[dreg:$0x4] =	wrdreg s1  }
.LBB2_4:
0x12: {  	_ =	swait.ge [sflag:s16], $0x6400  }
0x13: {  	[sflag:s16] =	ssyncset.done $0x0  }
0x14: {  	[sflag:s16] =	ssyncadd.s32 $0xFFFF9C00  }
0x15: {  	_ =	swait.ge [sflag:s19], $0x6400  }
0x16: {  	s23 =	sadd.s32 $0x1, s23;
	s1 =	rddreg [dreg:$0x4]  }
0x17: {  	p0 =	sne.s32 s23, s1  }
.Ltmp1:
0x18: {  	_ = 	snop;
	(pc) =	sbr.rel @!p0 .LBB2_5-.Ltmp1, $3  }
0x19: {  	_ =	sdelay $0x1  }
0x1a: {  	[sflag:s19] =	ssyncset.done $0x0  }
0x1b: {  	[sflag:s19] =	ssyncadd.s32 $0xFFFF9C00  }
.LBB2_1:
0x1c: {  	s1 =	rddreg [dreg:$0x3];
	s7 =	simm.s32 $0x5  }
0x1d: {  	[tilespmem:s2], [sflag:$0x5] =	stream.linear.gather [hbm4b:s1+s2], $0x1C00, $0x38;
	[tilespmem:$0xE400] =	vst v63  }
0x1e: {  	_ =	swait.ge [sflag:s7], $0x1C00  }
0x1f: {  	[sflag:s7] =	ssyncset.done $0x0  }
0x20: {  	[sflag:s7] =	ssyncadd.s32 $0xFFFFE400  }
0x21: {  	[tilespmem:s9], [sflag:$0x1] =	stream.indirect.gather [hbm4b:s3+s8], $0x20, s2, s8, $0xb8;
	[tilespmem:$0xE400] =	vst v63  }
0x22: {  	s28 =	simm.s32 $0x38;
	s4 =	simm.s32 $0x2240  }
0x23: {  	[tilespmem:s4], [sflag:$0x1] =	stream.indirect.gather [hbm4b:s3+s8], $0x20, s28, s8, $0xb8;
	[tilespmem:$0xE400] =	vst v63  }
0x24: {  	s5 =	simm.s32 $0x70;
	s6 =	simm.s32 $0x2880  }
0x25: {  	[tilespmem:s6], [sflag:$0x1] =	stream.indirect.gather [hbm4b:s3+s8], $0x20, s5, s8, $0xb8;
	[tilespmem:$0xE400] =	vst v63  }
0x26: {  	s7 =	simm.s32 $0xA8;
	s28 =	simm.s32 $0x2EC0  }
0x27: {  	[tilespmem:s28], [sflag:$0x1] =	stream.indirect.gather [hbm4b:s3+s8], $0x20, s7, s8, $0xb8;
	[tilespmem:$0xE400] =	vst v63  }
0x28: {  	s5 =	simm.s32 $0xE0;
	s6 =	simm.s32 $0x3500  }
0x29: {  	[tilespmem:s6], [sflag:$0x1] =	stream.indirect.gather [hbm4b:s3+s8], $0x20, s5, s8, $0xb8;
	[tilespmem:$0xE400] =	vst v63  }
0x2a: {  	s7 =	simm.s32 $0x118;
	s28 =	simm.s32 $0x3B40  }
0x2b: {  	[tilespmem:s28], [sflag:$0x1] =	stream.indirect.gather [hbm4b:s3+s8], $0x20, s7, s8, $0xb8;
	[tilespmem:$0xE400] =	vst v63  }
0x2c: {  	s5 =	simm.s32 $0x150;
	s6 =	simm.s32 $0x4180  }
0x2d: {  	[tilespmem:s6], [sflag:$0x1] =	stream.indirect.gather [hbm4b:s3+s8], $0x20, s5, s8, $0xb8;
	[tilespmem:$0xE400] =	vst v63  }
0x2e: {  	s7 =	simm.s32 $0x188;
	s28 =	simm.s32 $0x47C0  }
0x2f: {  	[tilespmem:s28], [sflag:$0x1] =	stream.indirect.gather [hbm4b:s3+s8], $0x20, s7, s8, $0xb8;
	[tilespmem:$0xE400] =	vst v63  }
0x30: {  	s5 =	simm.s32 $0x1C0;
	s6 =	simm.s32 $0x4E00  }
0x31: {  	[tilespmem:s6], [sflag:$0x1] =	stream.indirect.gather [hbm4b:s3+s8], $0x20, s5, s8, $0xb8;
	[tilespmem:$0xE400] =	vst v63  }
0x32: {  	s7 =	simm.s32 $0x1F8;
	s28 =	simm.s32 $0x5440  }
0x33: {  	[tilespmem:s28], [sflag:$0x1] =	stream.indirect.gather [hbm4b:s3+s8], $0x20, s7, s8, $0xb8;
	[tilespmem:$0xE400] =	vst v63  }
0x34: {  	s5 =	simm.s32 $0x230;
	s6 =	simm.s32 $0x5A80  }
0x35: {  	[tilespmem:s6], [sflag:$0x1] =	stream.indirect.gather [hbm4b:s3+s8], $0x20, s5, s8, $0xb8;
	[tilespmem:$0xE400] =	vst v63  }
0x36: {  	s7 =	simm.s32 $0x268;
	s28 =	simm.s32 $0x60C0  }
0x37: {  	[tilespmem:s28], [sflag:$0x1] =	stream.indirect.gather [hbm4b:s3+s8], $0x20, s7, s8, $0xb8;
	[tilespmem:$0xE400] =	vst v63  }
0x38: {  	s5 =	simm.s32 $0x2A0;
	s6 =	simm.s32 $0x6700  }
0x39: {  	[tilespmem:s6], [sflag:$0x1] =	stream.indirect.gather [hbm4b:s3+s8], $0x20, s5, s8, $0xb8;
	[tilespmem:$0xE400] =	vst v63  }
0x3a: {  	s7 =	simm.s32 $0x2D8;
	s28 =	simm.s32 $0x6D40  }
0x3b: {  	[tilespmem:s28], [sflag:$0x1] =	stream.indirect.gather [hbm4b:s3+s8], $0x20, s7, s8, $0xb8;
	[tilespmem:$0xE400] =	vst v63  }
0x3c: {  	s4 =	simm.s32 $0x310;
	s5 =	simm.s32 $0x7380  }
0x3d: {  	[tilespmem:s5], [sflag:$0x1] =	stream.indirect.gather [hbm4b:s3+s8], $0x20, s4, s8, $0xb8;
	[tilespmem:$0xE400] =	vst v63  }
0x3e: {  	s6 =	simm.s32 $0x348;
	s7 =	simm.s32 $0x79C0  }
0x3f: {  	[tilespmem:s7], [sflag:$0x1] =	stream.indirect.gather [hbm4b:s3+s8], $0x20, s6, s8, $0xb8;
	[tilespmem:$0xE400] =	vst v63  }
0x40: {  	s28 =	simm.s32 $0x380  }
0x41: {  	[tilespmem:s18], [sflag:$0x2] =	stream.indirect.gather [hbm4b:s3+s8], $0x20, s28, s8, $0xb8;
	[tilespmem:$0xE400] =	vst v63  }
0x42: {  	s4 =	simm.s32 $0x3B8  }
0x43: {  	[tilespmem:s20], [sflag:$0x2] =	stream.indirect.gather [hbm4b:s3+s8], $0x20, s4, s8, $0xb8;
	[tilespmem:$0xE400] =	vst v63  }
0x44: {  	s5 =	simm.s32 $0x3F0  }
0x45: {  	[tilespmem:s22], [sflag:$0x2] =	stream.indirect.gather [hbm4b:s3+s8], $0x20, s5, s8, $0xb8;
	[tilespmem:$0xE400] =	vst v63  }
0x46: {  	s6 =	simm.s32 $0x428  }
0x47: {  	[tilespmem:s24], [sflag:$0x2] =	stream.indirect.gather [hbm4b:s3+s8], $0x20, s6, s8, $0xb8;
	[tilespmem:$0xE400] =	vst v63  }
0x48: {  	s7 =	simm.s32 $0x460  }
0x49: {  	[tilespmem:s26], [sflag:$0x2] =	stream.indirect.gather [hbm4b:s3+s8], $0x20, s7, s8, $0xb8;
	[tilespmem:$0xE400] =	vst v63  }
0x4a: {  	s28 =	simm.s32 $0x498  }
0x4b: {  	[tilespmem:s29], [sflag:$0x2] =	stream.indirect.gather [hbm4b:s3+s8], $0x20, s28, s8, $0xb8;
	[tilespmem:$0xE400] =	vst v63  }
0x4c: {  	s4 =	simm.s32 $0x4D0  }
0x4d: {  	[tilespmem:s31], [sflag:$0x2] =	stream.indirect.gather [hbm4b:s3+s8], $0x20, s4, s8, $0xb8;
	[tilespmem:$0xE400] =	vst v63  }
0x4e: {  	s5 =	simm.s32 $0x508  }
0x4f: {  	[tilespmem:s0], [sflag:$0x2] =	stream.indirect.gather [hbm4b:s3+s8], $0x20, s5, s8, $0xb8;
	[tilespmem:$0xE400] =	vst v63  }
0x50: {  	s6 =	simm.s32 $0x540  }
0x51: {  	[tilespmem:s11], [sflag:$0x2] =	stream.indirect.gather [hbm4b:s3+s8], $0x20, s6, s8, $0xb8;
	[tilespmem:$0xE400] =	vst v63  }
0x52: {  	s7 =	simm.s32 $0x578  }
0x53: {  	[tilespmem:s13], [sflag:$0x2] =	stream.indirect.gather [hbm4b:s3+s8], $0x20, s7, s8, $0xb8;
	[tilespmem:$0xE400] =	vst v63  }
0x54: {  	s28 =	simm.s32 $0x5B0  }
0x55: {  	[tilespmem:s15], [sflag:$0x2] =	stream.indirect.gather [hbm4b:s3+s8], $0x20, s28, s8, $0xb8;
	[tilespmem:$0xE400] =	vst v63  }
0x56: {  	s4 =	simm.s32 $0x5E8  }
0x57: {  	[tilespmem:s17], [sflag:$0x2] =	stream.indirect.gather [hbm4b:s3+s8], $0x20, s4, s8, $0xb8;
	[tilespmem:$0xE400] =	vst v63  }
0x58: {  	s5 =	simm.s32 $0x620  }
0x59: {  	[tilespmem:s21], [sflag:$0x2] =	stream.indirect.gather [hbm4b:s3+s8], $0x20, s5, s8, $0xb8;
	[tilespmem:$0xE400] =	vst v63  }
0x5a: {  	s6 =	simm.s32 $0x658  }
0x5b: {  	[tilespmem:s25], [sflag:$0x2] =	stream.indirect.gather [hbm4b:s3+s8], $0x20, s6, s8, $0xb8;
	[tilespmem:$0xE400] =	vst v63  }
0x5c: {  	s7 =	simm.s32 $0x690  }
0x5d: {  	[tilespmem:s30], [sflag:$0x2] =	stream.indirect.gather [hbm4b:s3+s8], $0x20, s7, s8, $0xb8;
	[tilespmem:$0xE400] =	vst v63  }
0x5e: {  	s1 =	simm.s32 $0x0;
	s28 =	simm.s32 $0x6C8;
	s6 =	rddreg [dreg:$0x5]  }
0x5f: {  	[tilespmem:s10], [sflag:$0x2] =	stream.indirect.gather [hbm4b:s3+s8], $0x20, s28, s8, $0xb8;
	[tilespmem:$0xE400] =	vst v63  }
.LBB2_2:
0x60: {  	_ =	swait.ge [sflag:s12], $0x640  }
0x61: {  	[sflag:s12] =	ssyncset.done $0x0  }
0x62: {  	[sflag:s12] =	ssyncadd.s32 $0xFFFFF9C0  }
0x63: {  	_ =	swait.ge [sflag:s12], $0x640  }
0x64: {  	[sflag:s12] =	ssyncset.done $0x0  }
0x65: {  	[sflag:s12] =	ssyncadd.s32 $0xFFFFF9C0  }
0x66: {  	_ =	swait.ge [sflag:s12], $0x640  }
0x67: {  	[sflag:s12] =	ssyncset.done $0x0  }
0x68: {  	[sflag:s12] =	ssyncadd.s32 $0xFFFFF9C0  }
0x69: {  	_ =	swait.ge [sflag:s12], $0x640  }
0x6a: {  	[sflag:s12] =	ssyncset.done $0x0  }
0x6b: {  	[sflag:s12] =	ssyncadd.s32 $0xFFFFF9C0  }
0x6c: {  	_ =	swait.ge [sflag:s12], $0x640  }
0x6d: {  	[sflag:s12] =	ssyncset.done $0x0  }
0x6e: {  	[sflag:s12] =	ssyncadd.s32 $0xFFFFF9C0  }
0x6f: {  	_ =	swait.ge [sflag:s12], $0x640  }
0x70: {  	[sflag:s12] =	ssyncset.done $0x0  }
0x71: {  	[sflag:s12] =	ssyncadd.s32 $0xFFFFF9C0  }
0x72: {  	_ =	swait.ge [sflag:s12], $0x640  }
0x73: {  	[sflag:s12] =	ssyncset.done $0x0  }
0x74: {  	[sflag:s12] =	ssyncadd.s32 $0xFFFFF9C0  }
0x75: {  	_ =	swait.ge [sflag:s12], $0x640  }
0x76: {  	[sflag:s12] =	ssyncset.done $0x0  }
0x77: {  	[sflag:s12] =	ssyncadd.s32 $0xFFFFF9C0  }
0x78: {  	_ =	swait.ge [sflag:s12], $0x640  }
0x79: {  	[sflag:s12] =	ssyncset.done $0x0  }
0x7a: {  	[sflag:s12] =	ssyncadd.s32 $0xFFFFF9C0  }
0x7b: {  	_ =	swait.ge [sflag:s12], $0x640  }
0x7c: {  	[sflag:s12] =	ssyncset.done $0x0  }
0x7d: {  	[sflag:s12] =	ssyncadd.s32 $0xFFFFF9C0  }
0x7e: {  	_ =	swait.ge [sflag:s12], $0x640  }
0x7f: {  	[sflag:s12] =	ssyncset.done $0x0  }
0x80: {  	[sflag:s12] =	ssyncadd.s32 $0xFFFFF9C0  }
0x81: {  	_ =	swait.ge [sflag:s12], $0x640  }
0x82: {  	[sflag:s12] =	ssyncset.done $0x0  }
0x83: {  	[sflag:s12] =	ssyncadd.s32 $0xFFFFF9C0  }
0x84: {  	_ =	swait.ge [sflag:s12], $0x640  }
0x85: {  	[sflag:s12] =	ssyncset.done $0x0  }
0x86: {  	[sflag:s12] =	ssyncadd.s32 $0xFFFFF9C0  }
0x87: {  	_ =	swait.ge [sflag:s12], $0x640  }
0x88: {  	[sflag:s12] =	ssyncset.done $0x0  }
0x89: {  	[sflag:s12] =	ssyncadd.s32 $0xFFFFF9C0  }
0x8a: {  	_ =	swait.ge [sflag:s12], $0x640  }
0x8b: {  	[sflag:s12] =	ssyncset.done $0x0  }
0x8c: {  	[sflag:s12] =	ssyncadd.s32 $0xFFFFF9C0  }
0x8d: {  	_ =	swait.ge [sflag:s12], $0x640  }
0x8e: {  	p0 =	seq.s32 s1, $0x5400;
	[sflag:s12] =	ssyncset.done $0x0  }
0x8f: {  	s4 =	simm.s32 @!p0 $0x3;
	[sflag:s12] =	ssyncadd.s32 $0xFFFFF9C0  }
0x90: {  	[hbm4b:s6+s2] =	stream.linear.scatter [tilespmem:s9], [sflag:$0x3], $0x6400, $0x38;
	[tilespmem:$0xE400] =	vst v63  }
0x91: {  	_ =	swait.ge @!p0 [sflag:s4], $0x6400  }
0x92: {  	[sflag:s4] =	ssyncset.done @!p0 $0x0  }
0x93: {  	[sflag:s4] =	ssyncadd.s32 @!p0 $0xFFFF9C00;
	s4 =	sshra.s32 @!p0 s1, $0x2  }
0x94: {  	s28 =	simm.s32 @!p0 $0x32;
	s7 =	simm.s32 @!p0 $0x1C00;
	s5 =	sadd.s32 @!p0 $0x700, s4  }
0x95: {  	[tilespmem:s7], [sflag:$0x1] =	stream.indirect.gather @!p0 [hbm4b:s3+s28], $0x20, s5, s28, $0xb8;
	[tilespmem:$0xE400] =	vst v63  }
0x96: {  	s5 =	sadd.s32 @!p0 $0x738, s4;
	s7 =	simm.s32 @!p0 $0x2240  }
0x97: {  	[tilespmem:s7], [sflag:$0x1] =	stream.indirect.gather @!p0 [hbm4b:s3+s28], $0x20, s5, s28, $0xb8;
	[tilespmem:$0xE400] =	vst v63  }
0x98: {  	s5 =	sadd.s32 @!p0 $0x770, s4;
	s7 =	simm.s32 @!p0 $0x2880  }
0x99: {  	[tilespmem:s7], [sflag:$0x1] =	stream.indirect.gather @!p0 [hbm4b:s3+s28], $0x20, s5, s28, $0xb8;
	[tilespmem:$0xE400] =	vst v63  }
0x9a: {  	s5 =	sadd.s32 @!p0 $0x7A8, s4;
	s7 =	simm.s32 @!p0 $0x2EC0  }
0x9b: {  	[tilespmem:s7], [sflag:$0x1] =	stream.indirect.gather @!p0 [hbm4b:s3+s28], $0x20, s5, s28, $0xb8;
	[tilespmem:$0xE400] =	vst v63  }
0x9c: {  	s5 =	sadd.s32 @!p0 $0x7E0, s4;
	s7 =	simm.s32 @!p0 $0x3500  }
0x9d: {  	[tilespmem:s7], [sflag:$0x1] =	stream.indirect.gather @!p0 [hbm4b:s3+s28], $0x20, s5, s28, $0xb8;
	[tilespmem:$0xE400] =	vst v63  }
0x9e: {  	s5 =	sadd.s32 @!p0 $0x818, s4;
	s7 =	simm.s32 @!p0 $0x3B40  }
0x9f: {  	[tilespmem:s7], [sflag:$0x1] =	stream.indirect.gather @!p0 [hbm4b:s3+s28], $0x20, s5, s28, $0xb8;
	[tilespmem:$0xE400] =	vst v63  }
0xa0: {  	s5 =	sadd.s32 @!p0 $0x850, s4;
	s7 =	simm.s32 @!p0 $0x4180  }
0xa1: {  	[tilespmem:s7], [sflag:$0x1] =	stream.indirect.gather @!p0 [hbm4b:s3+s28], $0x20, s5, s28, $0xb8;
	[tilespmem:$0xE400] =	vst v63  }
0xa2: {  	s5 =	sadd.s32 @!p0 $0x888, s4;
	s7 =	simm.s32 @!p0 $0x47C0  }
0xa3: {  	[tilespmem:s7], [sflag:$0x1] =	stream.indirect.gather @!p0 [hbm4b:s3+s28], $0x20, s5, s28, $0xb8;
	[tilespmem:$0xE400] =	vst v63  }
0xa4: {  	s5 =	sadd.s32 @!p0 $0x8C0, s4;
	s7 =	simm.s32 @!p0 $0x4E00  }
0xa5: {  	[tilespmem:s7], [sflag:$0x1] =	stream.indirect.gather @!p0 [hbm4b:s3+s28], $0x20, s5, s28, $0xb8;
	[tilespmem:$0xE400] =	vst v63  }
0xa6: {  	s5 =	sadd.s32 @!p0 $0x8F8, s4;
	s7 =	simm.s32 @!p0 $0x5440  }
0xa7: {  	[tilespmem:s7], [sflag:$0x1] =	stream.indirect.gather @!p0 [hbm4b:s3+s28], $0x20, s5, s28, $0xb8;
	[tilespmem:$0xE400] =	vst v63  }
0xa8: {  	s5 =	sadd.s32 @!p0 $0x930, s4;
	s7 =	simm.s32 @!p0 $0x5A80  }
0xa9: {  	[tilespmem:s7], [sflag:$0x1] =	stream.indirect.gather @!p0 [hbm4b:s3+s28], $0x20, s5, s28, $0xb8;
	[tilespmem:$0xE400] =	vst v63  }
0xaa: {  	s5 =	sadd.s32 @!p0 $0x968, s4;
	s7 =	simm.s32 @!p0 $0x60C0  }
0xab: {  	[tilespmem:s7], [sflag:$0x1] =	stream.indirect.gather @!p0 [hbm4b:s3+s28], $0x20, s5, s28, $0xb8;
	[tilespmem:$0xE400] =	vst v63  }
0xac: {  	s5 =	sadd.s32 @!p0 $0x9A0, s4;
	s7 =	simm.s32 @!p0 $0x6700  }
0xad: {  	[tilespmem:s7], [sflag:$0x1] =	stream.indirect.gather @!p0 [hbm4b:s3+s28], $0x20, s5, s28, $0xb8;
	[tilespmem:$0xE400] =	vst v63  }
0xae: {  	s5 =	sadd.s32 @!p0 $0x9D8, s4;
	s7 =	simm.s32 @!p0 $0x6D40  }
0xaf: {  	[tilespmem:s7], [sflag:$0x1] =	stream.indirect.gather @!p0 [hbm4b:s3+s28], $0x20, s5, s28, $0xb8;
	[tilespmem:$0xE400] =	vst v63  }
0xb0: {  	s5 =	sadd.s32 @!p0 $0xA10, s4;
	s7 =	simm.s32 @!p0 $0x7380  }
0xb1: {  	[tilespmem:s7], [sflag:$0x1] =	stream.indirect.gather @!p0 [hbm4b:s3+s28], $0x20, s5, s28, $0xb8;
	[tilespmem:$0xE400] =	vst v63  }
0xb2: {  	s4 =	sadd.s32 @!p0 $0xA48, s4;
	s5 =	simm.s32 @!p0 $0x79C0  }
0xb3: {  	[tilespmem:s5], [sflag:$0x1] =	stream.indirect.gather @!p0 [hbm4b:s3+s28], $0x20, s4, s28, $0xb8;
	[tilespmem:$0xE400] =	vst v63  }
0xb4: {  	_ =	swait.ge [sflag:s14], $0x640  }
0xb5: {  	[sflag:s14] =	ssyncset.done $0x0  }
0xb6: {  	[sflag:s14] =	ssyncadd.s32 $0xFFFFF9C0  }
0xb7: {  	_ =	swait.ge [sflag:s14], $0x640  }
0xb8: {  	[sflag:s14] =	ssyncset.done $0x0  }
0xb9: {  	[sflag:s14] =	ssyncadd.s32 $0xFFFFF9C0  }
0xba: {  	_ =	swait.ge [sflag:s14], $0x640  }
0xbb: {  	[sflag:s14] =	ssyncset.done $0x0  }
0xbc: {  	[sflag:s14] =	ssyncadd.s32 $0xFFFFF9C0  }
0xbd: {  	_ =	swait.ge [sflag:s14], $0x640  }
0xbe: {  	[sflag:s14] =	ssyncset.done $0x0  }
0xbf: {  	[sflag:s14] =	ssyncadd.s32 $0xFFFFF9C0  }
0xc0: {  	_ =	swait.ge [sflag:s14], $0x640  }
0xc1: {  	[sflag:s14] =	ssyncset.done $0x0  }
0xc2: {  	[sflag:s14] =	ssyncadd.s32 $0xFFFFF9C0  }
0xc3: {  	_ =	swait.ge [sflag:s14], $0x640  }
0xc4: {  	[sflag:s14] =	ssyncset.done $0x0  }
0xc5: {  	[sflag:s14] =	ssyncadd.s32 $0xFFFFF9C0  }
0xc6: {  	_ =	swait.ge [sflag:s14], $0x640  }
0xc7: {  	[sflag:s14] =	ssyncset.done $0x0  }
0xc8: {  	[sflag:s14] =	ssyncadd.s32 $0xFFFFF9C0  }
0xc9: {  	_ =	swait.ge [sflag:s14], $0x640  }
0xca: {  	[sflag:s14] =	ssyncset.done $0x0  }
0xcb: {  	[sflag:s14] =	ssyncadd.s32 $0xFFFFF9C0  }
0xcc: {  	_ =	swait.ge [sflag:s14], $0x640  }
0xcd: {  	[sflag:s14] =	ssyncset.done $0x0  }
0xce: {  	[sflag:s14] =	ssyncadd.s32 $0xFFFFF9C0  }
0xcf: {  	_ =	swait.ge [sflag:s14], $0x640  }
0xd0: {  	[sflag:s14] =	ssyncset.done $0x0  }
0xd1: {  	[sflag:s14] =	ssyncadd.s32 $0xFFFFF9C0  }
0xd2: {  	_ =	swait.ge [sflag:s14], $0x640  }
0xd3: {  	[sflag:s14] =	ssyncset.done $0x0  }
0xd4: {  	[sflag:s14] =	ssyncadd.s32 $0xFFFFF9C0  }
0xd5: {  	_ =	swait.ge [sflag:s14], $0x640  }
0xd6: {  	[sflag:s14] =	ssyncset.done $0x0  }
0xd7: {  	[sflag:s14] =	ssyncadd.s32 $0xFFFFF9C0  }
0xd8: {  	_ =	swait.ge [sflag:s14], $0x640  }
0xd9: {  	[sflag:s14] =	ssyncset.done $0x0  }
0xda: {  	[sflag:s14] =	ssyncadd.s32 $0xFFFFF9C0  }
0xdb: {  	_ =	swait.ge [sflag:s14], $0x640  }
0xdc: {  	[sflag:s14] =	ssyncset.done $0x0  }
0xdd: {  	[sflag:s14] =	ssyncadd.s32 $0xFFFFF9C0  }
0xde: {  	_ =	swait.ge [sflag:s14], $0x640  }
0xdf: {  	[sflag:s14] =	ssyncset.done $0x0  }
.Ltmp2:
0xe0: {  	[sflag:s14] =	ssyncadd.s32 $0xFFFFF9C0;
	(pc) =	sbr.rel @p0 .LBB2_4-.Ltmp2, $4  }
0xe1: {  	_ =	swait.ge [sflag:s14], $0x640  }
0xe2: {  	[sflag:s14] =	ssyncset.done $0x0  }
0xe3: {  	s28 =	sadd.s32 $0xC80, s6;
	[sflag:s14] =	ssyncadd.s32 $0xFFFFF9C0  }
0xe4: {  	[hbm4b:s28+s2] =	stream.linear.scatter [tilespmem:s18], [sflag:$0x4], $0x6400, $0x38;
	[tilespmem:$0xE400] =	vst v63  }
0xe5: {  	_ =	swait.ge [sflag:s19], $0x6400  }
0xe6: {  	s4 =	sshra.s32 s1, $0x2;
	[sflag:s19] =	ssyncset.done $0x0  }
0xe7: {  	s5 =	sadd.s32 $0xA80, s4;
	[sflag:s19] =	ssyncadd.s32 $0xFFFF9C00  }
0xe8: {  	[tilespmem:s18], [sflag:$0x2] =	stream.indirect.gather [hbm4b:s3+s8], $0x20, s5, s8, $0xb8;
	[tilespmem:$0xE400] =	vst v63  }
0xe9: {  	s7 =	sadd.s32 $0xAB8, s4  }
0xea: {  	[tilespmem:s20], [sflag:$0x2] =	stream.indirect.gather [hbm4b:s3+s8], $0x20, s7, s8, $0xb8;
	[tilespmem:$0xE400] =	vst v63  }
0xeb: {  	s28 =	sadd.s32 $0xAF0, s4  }
0xec: {  	[tilespmem:s22], [sflag:$0x2] =	stream.indirect.gather [hbm4b:s3+s8], $0x20, s28, s8, $0xb8;
	[tilespmem:$0xE400] =	vst v63  }
0xed: {  	s7 =	sadd.s32 $0xB28, s4  }
0xee: {  	[tilespmem:s24], [sflag:$0x2] =	stream.indirect.gather [hbm4b:s3+s8], $0x20, s7, s8, $0xb8;
	[tilespmem:$0xE400] =	vst v63  }
0xef: {  	s28 =	sadd.s32 $0xB60, s4  }
0xf0: {  	[tilespmem:s26], [sflag:$0x2] =	stream.indirect.gather [hbm4b:s3+s8], $0x20, s28, s8, $0xb8;
	[tilespmem:$0xE400] =	vst v63  }
0xf1: {  	s7 =	sadd.s32 $0xB98, s4  }
0xf2: {  	[tilespmem:s29], [sflag:$0x2] =	stream.indirect.gather [hbm4b:s3+s8], $0x20, s7, s8, $0xb8;
	[tilespmem:$0xE400] =	vst v63  }
0xf3: {  	s28 =	sadd.s32 $0xBD0, s4  }
0xf4: {  	[tilespmem:s31], [sflag:$0x2] =	stream.indirect.gather [hbm4b:s3+s8], $0x20, s28, s8, $0xb8;
	[tilespmem:$0xE400] =	vst v63  }
0xf5: {  	s7 =	sadd.s32 $0xC08, s4  }
0xf6: {  	[tilespmem:s0], [sflag:$0x2] =	stream.indirect.gather [hbm4b:s3+s8], $0x20, s7, s8, $0xb8;
	[tilespmem:$0xE400] =	vst v63  }
0xf7: {  	s28 =	sadd.s32 $0xC40, s4  }
0xf8: {  	[tilespmem:s11], [sflag:$0x2] =	stream.indirect.gather [hbm4b:s3+s8], $0x20, s28, s8, $0xb8;
	[tilespmem:$0xE400] =	vst v63  }
0xf9: {  	s7 =	sadd.s32 $0xC78, s4  }
0xfa: {  	[tilespmem:s13], [sflag:$0x2] =	stream.indirect.gather [hbm4b:s3+s8], $0x20, s7, s8, $0xb8;
	[tilespmem:$0xE400] =	vst v63  }
0xfb: {  	s28 =	sadd.s32 $0xCB0, s4  }
0xfc: {  	[tilespmem:s15], [sflag:$0x2] =	stream.indirect.gather [hbm4b:s3+s8], $0x20, s28, s8, $0xb8;
	[tilespmem:$0xE400] =	vst v63  }
0xfd: {  	s7 =	sadd.s32 $0xCE8, s4  }
0xfe: {  	[tilespmem:s17], [sflag:$0x2] =	stream.indirect.gather [hbm4b:s3+s8], $0x20, s7, s8, $0xb8;
	[tilespmem:$0xE400] =	vst v63  }
0xff: {  	s28 =	sadd.s32 $0xD20, s4  }
0x100: {  	[tilespmem:s21], [sflag:$0x2] =	stream.indirect.gather [hbm4b:s3+s8], $0x20, s28, s8, $0xb8;
	[tilespmem:$0xE400] =	vst v63  }
0x101: {  	s7 =	sadd.s32 $0xD58, s4  }
0x102: {  	[tilespmem:s25], [sflag:$0x2] =	stream.indirect.gather [hbm4b:s3+s8], $0x20, s7, s8, $0xb8;
	[tilespmem:$0xE400] =	vst v63  }
.Ltmp3:
0x103: {  	_ = 	snop;
	(pc) =	sbr.rel .LBB2_2-.Ltmp3, $4  }
0x104: {  	s28 =	sadd.s32 $0xD90, s4  }
0x105: {  	[tilespmem:s30], [sflag:$0x2] =	stream.indirect.gather [hbm4b:s3+s8], $0x20, s28, s8, $0xb8;
	[tilespmem:$0xE400] =	vst v63  }
0x106: {  	s1 =	sadd.s32 $0x1C00, s1;
	s6 =	sadd.s32 $0x1900, s6;
	s4 =	sadd.s32 $0xDC8, s4  }
0x107: {  	[tilespmem:s10], [sflag:$0x2] =	stream.indirect.gather [hbm4b:s3+s8], $0x20, s4, s8, $0xb8;
	[tilespmem:$0xE400] =	vst v63  }
.LBB2_5:
0x108: {  	_ =	sfence.sel $0x180000  }
0x109: {  	[bflag:$0x0] =	sbarrier.arrive $0xFFFF  }
0x10a: {  	_ =	strace $0x90000047  }
0x10b: {  	s0 =	stileid.u32;
	[bflag:$0x2] =	sbarrier.arrive $0xFFFF  }
0x10c: {  	p0 =	sne.s32 s0, $0x0;
	s0 =	rddreg [dreg:$0x2]  }
0x10d: {  	s0 =	sadd.s32 @!p0 $0x100000, s0  }
0x10e: {  	[sflag:s0] =	ssyncadd.tile.s32 @!p0 $0x1;
	_ =	shalt  }
.Lfunc_end2:
_tile_overlayer_lowered:
.L_overlay_start_2:
0x10f: {  	(tag) =	ssettag $0x2  }
0x110: {  	s0 =	rddreg [dreg:$0x0];
	s2 =	stileid.u32  }
0x111: {  	s1 =	rddreg [dreg:$0x1];
	p0 =	sne.s32 s2, $0x0  }
0x112: {  	s3 =	rddreg [dreg:$0x2];
	[bflag:$0x3] =	sbarrier.arrive $0xFFFF;
	s2 =	simm.s32 @!p0 $0x1C05  }
0x113: {  	[timem:s3], [sflag:s2] =	dma.local @!p0 [hbm:s0], s1  }
0x114: {  	s0 =	simm.s32 @!p0 $0x5  }
0x115: {  	_ =	swait.ge @!p0 [sflag:s0], s1  }
0x116: {  	s1 =	ssub.s32 @!p0 $0x0, s1;
	[sflag:s0] =	ssyncset.done @!p0 $0x0  }
0x117: {  	[sflag:s0] =	ssyncadd.s32 @!p0 s1  }
0x118: {  	[bflag:$0x3] =	sbarrier.arrive $0xFFFF  }
0x119: {  	_ =	shalt  }

</sc_bundles>
